<compile_context>
chip_gen: v7x
topology: tpu7x:2x2x1
jax: 0.10.2.dev20260603
libtpu: 0.0.44.dev20260713+nightly
codegen_flags: <defaults>
</compile_context>

<pallas_src>
import functools

import jax
import jax.numpy as jnp
from jax import lax
from jax.experimental import pallas as pl
from jax.experimental.pallas import tpu as pltpu
from jax.experimental.pallas import tpu_sc as plsc

NUM_FIELDS = 26
VOCAB = 100000
D = 32
B = 16384
NC, NS, L = 2, 16, 16
NW = NC * NS
BPW = B // NW
GSIZE = 128
NG = BPW // GSIZE

ROWS = NUM_FIELDS * VOCAB
SB = 512
K = 16
BV = K * SB

NF_H = NUM_FIELDS // 2
STEPS_A, OFF_A = 159, 0
STEPS_B, OFF_B = 160, 158
ROW0_B = OFF_B * BV


def _tr_body(in_ref, out_ref):
    for g in range(K):
        x = jnp.concatenate(
            [in_ref[:, g * SB + 128 * c:g * SB + 128 * (c + 1)] for c in range(4)],
            axis=0,
        )
        out_ref[g * 128:(g + 1) * 128, :] = x.T


@functools.lru_cache(maxsize=None)
def _make_tc_transpose(nsteps, off):
    return pl.pallas_call(
        _tr_body,
        grid=(nsteps,),
        in_specs=[pl.BlockSpec((D, BV), lambda i: (0, i + off))],
        out_specs=pl.BlockSpec((K * 128, 128), lambda i: (i, 0)),
        out_shape=jax.ShapeDtypeStruct((nsteps * K * 128, 128), jnp.float32),
        compiler_params=pltpu.CompilerParams(
            dimension_semantics=("arbitrary",),
        ),
    )


@functools.lru_cache(maxsize=None)
def _make_sc_gather(f0, row0):
    mesh = plsc.VectorSubcoreMesh(core_axis_name="c", subcore_axis_name="s")

    @functools.partial(
        pl.kernel,
        out_type=jax.ShapeDtypeStruct((B, NF_H * D), jnp.float32),
        mesh=mesh,
        compiler_params=pltpu.CompilerParams(use_tc_tiling_on_sc=False),
        scratch_types=[
            pltpu.VMEM((BPW,), jnp.int32),
            pltpu.VMEM((BPW, D), jnp.float32),
            pltpu.SemaphoreType.DMA,
        ],
    )
    def k(sfT_hbm, tab_hbm, out_hbm, idx_v, rows_v, sem):
        wid = lax.axis_index("s") * NC + lax.axis_index("c")
        b0 = wid * BPW

        def field_body(f, carry):
            pltpu.sync_copy(sfT_hbm.at[f0 + f, pl.ds(b0, BPW)], idx_v)
            base = f * VOCAB + (f0 * VOCAB - row0)

            def remap_body(i, carry2):
                s16 = pl.ds(i * L, L)
                v = idx_v[s16] + base
                idx_v[s16] = (
                    ((v >> 9) << 9) + ((v & 127) << 2) + ((v >> 7) & 3)
                )
                return carry2

            lax.fori_loop(0, BPW // L, remap_body, 0)

            cps = []
            for j in range(NG):
                sl = pl.ds(j * GSIZE, GSIZE)
                cps.append(
                    pltpu.async_copy(tab_hbm.at[idx_v.at[sl]], rows_v.at[sl], sem)
                )
            for cp in cps:
                cp.wait()
            pltpu.sync_copy(rows_v, out_hbm.at[pl.ds(b0, BPW), pl.ds(f * D, D)])
            return carry

        lax.fori_loop(0, NF_H, field_body, 0)

    return k


def kernel(sparse_features, tables):
    tabT = tables.T
    sfT = sparse_features.T.astype(jnp.int32)

    linA = _make_tc_transpose(STEPS_A, OFF_A)(tabT)
    tabA = jnp.reshape(linA, (linA.shape[0] * 4, D))
    outA = _make_sc_gather(0, 0)(sfT, tabA)

    linB = _make_tc_transpose(STEPS_B, OFF_B)(tabT)
    tabB = jnp.reshape(linB, (linB.shape[0] * 4, D))
    outB = _make_sc_gather(NF_H, ROW0_B)(sfT, tabB)

    out = jnp.concatenate([outA, outB], axis=1)
    return out.reshape(B, NUM_FIELDS, D)

# --- scband reference (transcript-rebuilt; emitter-appended) ---
"""Pipeline reference for scband-fused-sparse-modules-16707422781538 (READ-ONLY COPY).

The authoritative reference and input builder live on the scoring server;
editing this copy changes nothing except your own understanding.
"""

import jax, jax.numpy as jnp
import numpy as np

NUM_FIELDS = 26
VOCAB_PER_FIELD = 100000
EMBED_DIM = 32
BATCH = 16384

def setup_inputs(seed: int = 0) -> dict:
    key = jax.random.key(seed)
    k_idx, k_tab = jax.random.split(key)
    sparse_features = jax.random.randint(k_idx, (BATCH, NUM_FIELDS), 0, VOCAB_PER_FIELD, dtype=jnp.int64 if jax.config.jax_enable_x64 else jnp.int32)
    # One fused table: 26 feature tables of shape [100000, 32] stacked row-wise
    tables = jax.random.normal(k_tab, (NUM_FIELDS * VOCAB_PER_FIELD, EMBED_DIM), dtype=jnp.float32) * 0.01
    return {"sparse_features": sparse_features, "tables": tables}

def reference(sparse_features, tables):
    # EmbeddingCollection: per-feature embedding lookup into its own table.
    # Tables are fused row-wise, so add per-field row offsets before the gather.
    offsets = (jnp.arange(NUM_FIELDS, dtype=sparse_features.dtype) * VOCAB_PER_FIELD)[None, :]
    flat_idx = sparse_features + offsets  # [B, 26]
    out = jnp.take(tables, flat_idx.reshape(-1), axis=0)  # [B*26, 32]
    out = out.reshape(sparse_features.shape[0], NUM_FIELDS, EMBED_DIM)  # [B, 26, 32]
    # convert_to_dist_spec(shard dim 0) is a layout change only; math identity.
    return out

if __name__ == "__main__":
    import jax
    _d = setup_inputs()
    print(jax.jit(kernel)(*tuple(_d.values())))

</pallas_src>

<mosaic_0001>
#map = affine_map<(d0, d1) -> (0, 0)>
module attributes {stable_mosaic.version = 14 : i64} {
  func.func @k(%arg0: i32, %arg1: i32, %arg2: memref<26x16384xi32, #tpu.memory_space<hbm>>, %arg3: memref<1310720x32xf32, #tpu.memory_space<hbm>>, %arg4: memref<16384x416xf32, #tpu.memory_space<hbm>>, %arg5: memref<512xi32, #tpu.memory_space<vmem>>, %arg6: memref<512x32xf32, #tpu.memory_space<vmem>>, %arg7: memref<!tpu.dma_semaphore, #tpu.memory_space<semaphore_mem>>) attributes {dimension_semantics = [#tpu.dimension_semantics<core_parallel>, #tpu.dimension_semantics<subcore_parallel>], iteration_bounds = array<i64: 2, 16>, scalar_prefetch = 0 : i64, scratch_operands = 3 : i64, tpu.core_type = #tpu.core_type<sc_vector_subcore>, window_params = [{transform_indices = #map}, {transform_indices = #map}, {transform_indices = #map}]} {
    %mul3A = arith.constant 2 : i32
    %mul3A_0 = arith.muli %arg1, %mul3A : i32
    %add3A = arith.addi %mul3A_0, %arg0 : i32
    %mul3A_1 = arith.constant 512 : i32
    %mul3A_2 = arith.muli %add3A, %mul3A_1 : i32
    %scan3A = arith.constant 0 : i32
    %scan3A_3 = arith.constant 0 : i32
    %scan3A_4 = arith.constant 13 : i32
    %scan3A_5 = arith.addi %scan3A_3, %scan3A_4 : i32
    %scan3A_6 = arith.constant 1 : i32
    scf.for %scan3A_8 = %scan3A_3 to %scan3A_5 step %scan3A_6  : i32 {
      %add3A_9 = arith.constant 13 : i32
      %add3A_10 = arith.addi %add3A_9, %scan3A_8 : i32
      "tpu.region"() ({
        %run_scoped3A = tpu.sem_alloc : memref<!tpu.dma_semaphore, #tpu.memory_space<semaphore_mem>>
        %dma_start3A_85 = tpu.memref_slice %arg2[%add3A_10, %mul3A_2] : memref<26x16384xi32, #tpu.memory_space<hbm>> -> memref<1x512xi32, #tpu.memory_space<hbm>>
        %dma_start3A_86 = tpu.memref_squeeze %dma_start3A_85 : memref<1x512xi32, #tpu.memory_space<hbm>> -> memref<512xi32, #tpu.memory_space<hbm>>
        %dma_start3A_87 = tpu.memref_slice %arg2[%add3A_10, %mul3A_2] : memref<26x16384xi32, #tpu.memory_space<hbm>> -> memref<1x512xi32, #tpu.memory_space<hbm>>
        %dma_start3A_88 = tpu.memref_squeeze %dma_start3A_87 : memref<1x512xi32, #tpu.memory_space<hbm>> -> memref<512xi32, #tpu.memory_space<hbm>>
        tpu.enqueue_dma source(%dma_start3A_88 : memref<512xi32, #tpu.memory_space<hbm>>) target(%arg5 : memref<512xi32, #tpu.memory_space<vmem>>) target_semaphore(%run_scoped3A : memref<!tpu.dma_semaphore, #tpu.memory_space<semaphore_mem>>)
        %dma_wait3A_89 = tpu.memref_slice %arg2[%add3A_10, %mul3A_2] : memref<26x16384xi32, #tpu.memory_space<hbm>> -> memref<1x512xi32, #tpu.memory_space<hbm>>
        %dma_wait3A_90 = tpu.memref_squeeze %dma_wait3A_89 : memref<1x512xi32, #tpu.memory_space<hbm>> -> memref<512xi32, #tpu.memory_space<hbm>>
        %dma_wait3A_91 = tpu.memref_slice %arg2[%add3A_10, %mul3A_2] : memref<26x16384xi32, #tpu.memory_space<hbm>> -> memref<1x512xi32, #tpu.memory_space<hbm>>
        %dma_wait3A_92 = tpu.memref_squeeze %dma_wait3A_91 : memref<1x512xi32, #tpu.memory_space<hbm>> -> memref<512xi32, #tpu.memory_space<hbm>>
        tpu.wait_dma2 semaphore(%run_scoped3A : memref<!tpu.dma_semaphore, #tpu.memory_space<semaphore_mem>>) src(%dma_wait3A_92 : memref<512xi32, #tpu.memory_space<hbm>>) dst(%arg5 : memref<512xi32, #tpu.memory_space<vmem>>)
        tpu.yield
      }) : () -> ()
      %mul3A_11 = arith.constant 100000 : i32
      %mul3A_12 = arith.muli %scan3A_8, %mul3A_11 : i32
      %add3A_13 = arith.constant 5664 : i32
      %add3A_14 = arith.addi %mul3A_12, %add3A_13 : i32
      %scan3A_15 = arith.constant 0 : i32
      %scan3A_16 = arith.constant 0 : i32
      %scan3A_17 = arith.constant 32 : i32
      %scan3A_18 = arith.addi %scan3A_16, %scan3A_17 : i32
      %scan3A_19 = arith.constant 1 : i32
      scf.for %scan3A_85 = %scan3A_16 to %scan3A_18 step %scan3A_19  : i32 {
        %mul3A_86 = arith.constant 16 : i32
        %mul3A_87 = arith.muli %scan3A_85, %mul3A_86 : i32
        %get3A = arith.index_cast %mul3A_87 : i32 to index
        %get3A_88 = tpu.vector_load %arg5[%get3A] {strides = array<i32>} : memref<512xi32, #tpu.memory_space<vmem>>, vector<16xi32>,
        %get3A_89 = vector.shape_cast %get3A_88 : vector<16xi32> to vector<16xi32>
        %add3A_90 = vector.broadcast %add3A_14 : i32 to vector<16xi32>
        %add3A_91 = arith.addi %get3A_89, %add3A_90 : vector<16xi32>
        %shift_right_arithmetic3A = arith.constant 9 : i32
        %shift_right_arithmetic3A_92 = vector.broadcast %shift_right_arithmetic3A : i32 to vector<16xi32>
        %shift_right_arithmetic3A_93 = arith.shrsi %add3A_91, %shift_right_arithmetic3A_92 : vector<16xi32>
        %shift_left3A = arith.constant 9 : i32
        %shift_left3A_94 = vector.broadcast %shift_left3A : i32 to vector<16xi32>
        %shift_left3A_95 = arith.shli %shift_right_arithmetic3A_93, %shift_left3A_94 : vector<16xi32>
        %and3A = arith.constant 127 : i32
        %and3A_96 = vector.broadcast %and3A : i32 to vector<16xi32>
        %and3A_97 = arith.andi %add3A_91, %and3A_96 : vector<16xi32>
        %shift_left3A_98 = arith.constant 2 : i32
        %shift_left3A_99 = vector.broadcast %shift_left3A_98 : i32 to vector<16xi32>
        %shift_left3A_100 = arith.shli %and3A_97, %shift_left3A_99 : vector<16xi32>
        %add3A_101 = arith.addi %shift_left3A_95, %shift_left3A_100 : vector<16xi32>
        %shift_right_arithmetic3A_102 = arith.constant 7 : i32
        %shift_right_arithmetic3A_103 = vector.broadcast %shift_right_arithmetic3A_102 : i32 to vector<16xi32>
        %shift_right_arithmetic3A_104 = arith.shrsi %add3A_91, %shift_right_arithmetic3A_103 : vector<16xi32>
        %and3A_105 = arith.constant 3 : i32
        %and3A_106 = vector.broadcast %and3A_105 : i32 to vector<16xi32>
        %and3A_107 = arith.andi %shift_right_arithmetic3A_104, %and3A_106 : vector<16xi32>
        %add3A_108 = arith.addi %add3A_101, %and3A_107 : vector<16xi32>
        %swap3A = arith.index_cast %mul3A_87 : i32 to index
        %swap3A_109 = tpu.vector_load %arg5[%swap3A] {strides = array<i32>} : memref<512xi32, #tpu.memory_space<vmem>>, vector<16xi32>,
        %swap3A_110 = vector.shape_cast %swap3A_109 : vector<16xi32> to vector<16xi32>
        %swap3A_111 = vector.shape_cast %add3A_108 : vector<16xi32> to vector<16xi32>
        tpu.vector_store %arg5[%swap3A], %swap3A_111 {strides = array<i32>} : memref<512xi32, #tpu.memory_space<vmem>>, vector<16xi32>,
      }
      %scan3A_20 = arith.constant 32 : i32
      %dma_start3A = arith.constant 0 : i32
      %dma_start3A_21 = arith.constant 0 : i32
      %dma_start3A_22 = tpu.memref_slice %arg6[%dma_start3A, %dma_start3A_21] : memref<512x32xf32, #tpu.memory_space<vmem>> -> memref<128x32xf32, #tpu.memory_space<vmem>>
      %dma_start3A_23 = arith.constant 0 : i32
      %dma_start3A_24 = tpu.memref_slice %arg5[%dma_start3A_23] : memref<512xi32, #tpu.memory_space<vmem>> -> memref<128xi32, #tpu.memory_space<vmem>>
      %dma_start3A_25 = arith.constant 0 : i32
      %dma_start3A_26 = arith.constant 0 : i32
      %dma_start3A_27 = tpu.memref_slice %arg3[%dma_start3A_25, %dma_start3A_26] : memref<1310720x32xf32, #tpu.memory_space<hbm>> -> memref<1310720x32xf32, #tpu.memory_space<hbm>>
      tpu.enqueue_indirect_dma source(%dma_start3A_27 : memref<1310720x32xf32, #tpu.memory_space<hbm>>) target(%dma_start3A_22 : memref<128x32xf32, #tpu.memory_space<vmem>>) offsets(%dma_start3A_24 : memref<128xi32, #tpu.memory_space<vmem>>) semaphore(%arg7 : memref<!tpu.dma_semaphore, #tpu.memory_space<semaphore_mem>>)
      %dma_start3A_28 = arith.constant 128 : i32
      %dma_start3A_29 = arith.constant 0 : i32
      %dma_start3A_30 = tpu.memref_slice %arg6[%dma_start3A_28, %dma_start3A_29] : memref<512x32xf32, #tpu.memory_space<vmem>> -> memref<128x32xf32, #tpu.memory_space<vmem>>
      %dma_start3A_31 = arith.constant 128 : i32
      %dma_start3A_32 = tpu.memref_slice %arg5[%dma_start3A_31] : memref<512xi32, #tpu.memory_space<vmem>> -> memref<128xi32, #tpu.memory_space<vmem>>
      %dma_start3A_33 = arith.constant 0 : i32
      %dma_start3A_34 = arith.constant 0 : i32
      %dma_start3A_35 = tpu.memref_slice %arg3[%dma_start3A_33, %dma_start3A_34] : memref<1310720x32xf32, #tpu.memory_space<hbm>> -> memref<1310720x32xf32, #tpu.memory_space<hbm>>
      tpu.enqueue_indirect_dma source(%dma_start3A_35 : memref<1310720x32xf32, #tpu.memory_space<hbm>>) target(%dma_start3A_30 : memref<128x32xf32, #tpu.memory_space<vmem>>) offsets(%dma_start3A_32 : memref<128xi32, #tpu.memory_space<vmem>>) semaphore(%arg7 : memref<!tpu.dma_semaphore, #tpu.memory_space<semaphore_mem>>)
      %dma_start3A_36 = arith.constant 256 : i32
      %dma_start3A_37 = arith.constant 0 : i32
      %dma_start3A_38 = tpu.memref_slice %arg6[%dma_start3A_36, %dma_start3A_37] : memref<512x32xf32, #tpu.memory_space<vmem>> -> memref<128x32xf32, #tpu.memory_space<vmem>>
      %dma_start3A_39 = arith.constant 256 : i32
      %dma_start3A_40 = tpu.memref_slice %arg5[%dma_start3A_39] : memref<512xi32, #tpu.memory_space<vmem>> -> memref<128xi32, #tpu.memory_space<vmem>>
      %dma_start3A_41 = arith.constant 0 : i32
      %dma_start3A_42 = arith.constant 0 : i32
      %dma_start3A_43 = tpu.memref_slice %arg3[%dma_start3A_41, %dma_start3A_42] : memref<1310720x32xf32, #tpu.memory_space<hbm>> -> memref<1310720x32xf32, #tpu.memory_space<hbm>>
      tpu.enqueue_indirect_dma source(%dma_start3A_43 : memref<1310720x32xf32, #tpu.memory_space<hbm>>) target(%dma_start3A_38 : memref<128x32xf32, #tpu.memory_space<vmem>>) offsets(%dma_start3A_40 : memref<128xi32, #tpu.memory_space<vmem>>) semaphore(%arg7 : memref<!tpu.dma_semaphore, #tpu.memory_space<semaphore_mem>>)
      %dma_start3A_44 = arith.constant 384 : i32
      %dma_start3A_45 = arith.constant 0 : i32
      %dma_start3A_46 = tpu.memref_slice %arg6[%dma_start3A_44, %dma_start3A_45] : memref<512x32xf32, #tpu.memory_space<vmem>> -> memref<128x32xf32, #tpu.memory_space<vmem>>
      %dma_start3A_47 = arith.constant 384 : i32
      %dma_start3A_48 = tpu.memref_slice %arg5[%dma_start3A_47] : memref<512xi32, #tpu.memory_space<vmem>> -> memref<128xi32, #tpu.memory_space<vmem>>
      %dma_start3A_49 = arith.constant 0 : i32
      %dma_start3A_50 = arith.constant 0 : i32
      %dma_start3A_51 = tpu.memref_slice %arg3[%dma_start3A_49, %dma_start3A_50] : memref<1310720x32xf32, #tpu.memory_space<hbm>> -> memref<1310720x32xf32, #tpu.memory_space<hbm>>
      tpu.enqueue_indirect_dma source(%dma_start3A_51 : memref<1310720x32xf32, #tpu.memory_space<hbm>>) target(%dma_start3A_46 : memref<128x32xf32, #tpu.memory_space<vmem>>) offsets(%dma_start3A_48 : memref<128xi32, #tpu.memory_space<vmem>>) semaphore(%arg7 : memref<!tpu.dma_semaphore, #tpu.memory_space<semaphore_mem>>)
      %dma_wait3A = arith.constant 0 : i32
      %dma_wait3A_52 = arith.constant 0 : i32
      %dma_wait3A_53 = tpu.memref_slice %arg6[%dma_wait3A, %dma_wait3A_52] : memref<512x32xf32, #tpu.memory_space<vmem>> -> memref<128x32xf32, #tpu.memory_space<vmem>>
      %dma_wait3A_54 = arith.constant 0 : i32
      %dma_wait3A_55 = tpu.memref_slice %arg5[%dma_wait3A_54] : memref<512xi32, #tpu.memory_space<vmem>> -> memref<128xi32, #tpu.memory_space<vmem>>
      %dma_wait3A_56 = arith.constant 0 : i32
      %dma_wait3A_57 = arith.constant 0 : i32
      %dma_wait3A_58 = tpu.memref_slice %arg3[%dma_wait3A_56, %dma_wait3A_57] : memref<1310720x32xf32, #tpu.memory_space<hbm>> -> memref<1310720x32xf32, #tpu.memory_space<hbm>>
      tpu.wait_indirect_dma semaphore(%arg7 : memref<!tpu.dma_semaphore, #tpu.memory_space<semaphore_mem>>) src(%dma_wait3A_58 : memref<1310720x32xf32, #tpu.memory_space<hbm>>) dst(%dma_wait3A_53 : memref<128x32xf32, #tpu.memory_space<vmem>>)
      %dma_wait3A_59 = arith.constant 128 : i32
      %dma_wait3A_60 = arith.constant 0 : i32
      %dma_wait3A_61 = tpu.memref_slice %arg6[%dma_wait3A_59, %dma_wait3A_60] : memref<512x32xf32, #tpu.memory_space<vmem>> -> memref<128x32xf32, #tpu.memory_space<vmem>>
      %dma_wait3A_62 = arith.constant 128 : i32
      %dma_wait3A_63 = tpu.memref_slice %arg5[%dma_wait3A_62] : memref<512xi32, #tpu.memory_space<vmem>> -> memref<128xi32, #tpu.memory_space<vmem>>
      %dma_wait3A_64 = arith.constant 0 : i32
      %dma_wait3A_65 = arith.constant 0 : i32
      %dma_wait3A_66 = tpu.memref_slice %arg3[%dma_wait3A_64, %dma_wait3A_65] : memref<1310720x32xf32, #tpu.memory_space<hbm>> -> memref<1310720x32xf32, #tpu.memory_space<hbm>>
      tpu.wait_indirect_dma semaphore(%arg7 : memref<!tpu.dma_semaphore, #tpu.memory_space<semaphore_mem>>) src(%dma_wait3A_66 : memref<1310720x32xf32, #tpu.memory_space<hbm>>) dst(%dma_wait3A_61 : memref<128x32xf32, #tpu.memory_space<vmem>>)
      %dma_wait3A_67 = arith.constant 256 : i32
      %dma_wait3A_68 = arith.constant 0 : i32
      %dma_wait3A_69 = tpu.memref_slice %arg6[%dma_wait3A_67, %dma_wait3A_68] : memref<512x32xf32, #tpu.memory_space<vmem>> -> memref<128x32xf32, #tpu.memory_space<vmem>>
      %dma_wait3A_70 = arith.constant 256 : i32
      %dma_wait3A_71 = tpu.memref_slice %arg5[%dma_wait3A_70] : memref<512xi32, #tpu.memory_space<vmem>> -> memref<128xi32, #tpu.memory_space<vmem>>
      %dma_wait3A_72 = arith.constant 0 : i32
      %dma_wait3A_73 = arith.constant 0 : i32
      %dma_wait3A_74 = tpu.memref_slice %arg3[%dma_wait3A_72, %dma_wait3A_73] : memref<1310720x32xf32, #tpu.memory_space<hbm>> -> memref<1310720x32xf32, #tpu.memory_space<hbm>>
      tpu.wait_indirect_dma semaphore(%arg7 : memref<!tpu.dma_semaphore, #tpu.memory_space<semaphore_mem>>) src(%dma_wait3A_74 : memref<1310720x32xf32, #tpu.memory_space<hbm>>) dst(%dma_wait3A_69 : memref<128x32xf32, #tpu.memory_space<vmem>>)
      %dma_wait3A_75 = arith.constant 384 : i32
      %dma_wait3A_76 = arith.constant 0 : i32
      %dma_wait3A_77 = tpu.memref_slice %arg6[%dma_wait3A_75, %dma_wait3A_76] : memref<512x32xf32, #tpu.memory_space<vmem>> -> memref<128x32xf32, #tpu.memory_space<vmem>>
      %dma_wait3A_78 = arith.constant 384 : i32
      %dma_wait3A_79 = tpu.memref_slice %arg5[%dma_wait3A_78] : memref<512xi32, #tpu.memory_space<vmem>> -> memref<128xi32, #tpu.memory_space<vmem>>
      %dma_wait3A_80 = arith.constant 0 : i32
      %dma_wait3A_81 = arith.constant 0 : i32
      %dma_wait3A_82 = tpu.memref_slice %arg3[%dma_wait3A_80, %dma_wait3A_81] : memref<1310720x32xf32, #tpu.memory_space<hbm>> -> memref<1310720x32xf32, #tpu.memory_space<hbm>>
      tpu.wait_indirect_dma semaphore(%arg7 : memref<!tpu.dma_semaphore, #tpu.memory_space<semaphore_mem>>) src(%dma_wait3A_82 : memref<1310720x32xf32, #tpu.memory_space<hbm>>) dst(%dma_wait3A_77 : memref<128x32xf32, #tpu.memory_space<vmem>>)
      %mul3A_83 = arith.constant 32 : i32
      %mul3A_84 = arith.muli %scan3A_8, %mul3A_83 : i32
      "tpu.region"() ({
        %run_scoped3A = tpu.sem_alloc : memref<!tpu.dma_semaphore, #tpu.memory_space<semaphore_mem>>
        %dma_start3A_85 = tpu.memref_slice %arg4[%mul3A_2, %mul3A_84] : memref<16384x416xf32, #tpu.memory_space<hbm>> -> memref<512x32xf32, #tpu.memory_space<hbm>>
        %dma_start3A_86 = tpu.memref_slice %arg4[%mul3A_2, %mul3A_84] : memref<16384x416xf32, #tpu.memory_space<hbm>> -> memref<512x32xf32, #tpu.memory_space<hbm>>
        tpu.enqueue_dma source(%arg6 : memref<512x32xf32, #tpu.memory_space<vmem>>) target(%dma_start3A_86 : memref<512x32xf32, #tpu.memory_space<hbm>>) target_semaphore(%run_scoped3A : memref<!tpu.dma_semaphore, #tpu.memory_space<semaphore_mem>>)
        %dma_wait3A_87 = tpu.memref_slice %arg4[%mul3A_2, %mul3A_84] : memref<16384x416xf32, #tpu.memory_space<hbm>> -> memref<512x32xf32, #tpu.memory_space<hbm>>
        %dma_wait3A_88 = tpu.memref_slice %arg4[%mul3A_2, %mul3A_84] : memref<16384x416xf32, #tpu.memory_space<hbm>> -> memref<512x32xf32, #tpu.memory_space<hbm>>
        tpu.wait_dma2 semaphore(%run_scoped3A : memref<!tpu.dma_semaphore, #tpu.memory_space<semaphore_mem>>) src(%arg6 : memref<512x32xf32, #tpu.memory_space<vmem>>) dst(%dma_wait3A_88 : memref<512x32xf32, #tpu.memory_space<hbm>>)
        tpu.yield
      }) : () -> ()
    }
    %scan3A_7 = arith.constant 13 : i32
    return
  }
}

#map = affine_map<(d0, d1) -> (0, 0)>
module attributes {stable_mosaic.version = 14 : i64} {
  func.func @k(%arg0: i32, %arg1: i32, %arg2: memref<26x16384xi32, #tpu.memory_space<hbm>>, %arg3: memref<1302528x32xf32, #tpu.memory_space<hbm>>, %arg4: memref<16384x416xf32, #tpu.memory_space<hbm>>, %arg5: memref<512xi32, #tpu.memory_space<vmem>>, %arg6: memref<512x32xf32, #tpu.memory_space<vmem>>, %arg7: memref<!tpu.dma_semaphore, #tpu.memory_space<semaphore_mem>>) attributes {dimension_semantics = [#tpu.dimension_semantics<core_parallel>, #tpu.dimension_semantics<subcore_parallel>], iteration_bounds = array<i64: 2, 16>, scalar_prefetch = 0 : i64, scratch_operands = 3 : i64, tpu.core_type = #tpu.core_type<sc_vector_subcore>, window_params = [{transform_indices = #map}, {transform_indices = #map}, {transform_indices = #map}]} {
    %mul3A = arith.constant 2 : i32
    %mul3A_0 = arith.muli %arg1, %mul3A : i32
    %add3A = arith.addi %mul3A_0, %arg0 : i32
    %mul3A_1 = arith.constant 512 : i32
    %mul3A_2 = arith.muli %add3A, %mul3A_1 : i32
    %scan3A = arith.constant 0 : i32
    %scan3A_3 = arith.constant 0 : i32
    %scan3A_4 = arith.constant 13 : i32
    %scan3A_5 = arith.addi %scan3A_3, %scan3A_4 : i32
    %scan3A_6 = arith.constant 1 : i32
    scf.for %scan3A_8 = %scan3A_3 to %scan3A_5 step %scan3A_6  : i32 {
      %add3A_9 = arith.constant 0 : i32
      %add3A_10 = arith.addi %add3A_9, %scan3A_8 : i32
      "tpu.region"() ({
        %run_scoped3A = tpu.sem_alloc : memref<!tpu.dma_semaphore, #tpu.memory_space<semaphore_mem>>
        %dma_start3A_85 = tpu.memref_slice %arg2[%add3A_10, %mul3A_2] : memref<26x16384xi32, #tpu.memory_space<hbm>> -> memref<1x512xi32, #tpu.memory_space<hbm>>
        %dma_start3A_86 = tpu.memref_squeeze %dma_start3A_85 : memref<1x512xi32, #tpu.memory_space<hbm>> -> memref<512xi32, #tpu.memory_space<hbm>>
        %dma_start3A_87 = tpu.memref_slice %arg2[%add3A_10, %mul3A_2] : memref<26x16384xi32, #tpu.memory_space<hbm>> -> memref<1x512xi32, #tpu.memory_space<hbm>>
        %dma_start3A_88 = tpu.memref_squeeze %dma_start3A_87 : memref<1x512xi32, #tpu.memory_space<hbm>> -> memref<512xi32, #tpu.memory_space<hbm>>
        tpu.enqueue_dma source(%dma_start3A_88 : memref<512xi32, #tpu.memory_space<hbm>>) target(%arg5 : memref<512xi32, #tpu.memory_space<vmem>>) target_semaphore(%run_scoped3A : memref<!tpu.dma_semaphore, #tpu.memory_space<semaphore_mem>>)
        %dma_wait3A_89 = tpu.memref_slice %arg2[%add3A_10, %mul3A_2] : memref<26x16384xi32, #tpu.memory_space<hbm>> -> memref<1x512xi32, #tpu.memory_space<hbm>>
        %dma_wait3A_90 = tpu.memref_squeeze %dma_wait3A_89 : memref<1x512xi32, #tpu.memory_space<hbm>> -> memref<512xi32, #tpu.memory_space<hbm>>
        %dma_wait3A_91 = tpu.memref_slice %arg2[%add3A_10, %mul3A_2] : memref<26x16384xi32, #tpu.memory_space<hbm>> -> memref<1x512xi32, #tpu.memory_space<hbm>>
        %dma_wait3A_92 = tpu.memref_squeeze %dma_wait3A_91 : memref<1x512xi32, #tpu.memory_space<hbm>> -> memref<512xi32, #tpu.memory_space<hbm>>
        tpu.wait_dma2 semaphore(%run_scoped3A : memref<!tpu.dma_semaphore, #tpu.memory_space<semaphore_mem>>) src(%dma_wait3A_92 : memref<512xi32, #tpu.memory_space<hbm>>) dst(%arg5 : memref<512xi32, #tpu.memory_space<vmem>>)
        tpu.yield
      }) : () -> ()
      %mul3A_11 = arith.constant 100000 : i32
      %mul3A_12 = arith.muli %scan3A_8, %mul3A_11 : i32
      %add3A_13 = arith.constant 0 : i32
      %add3A_14 = arith.addi %mul3A_12, %add3A_13 : i32
      %scan3A_15 = arith.constant 0 : i32
      %scan3A_16 = arith.constant 0 : i32
      %scan3A_17 = arith.constant 32 : i32
      %scan3A_18 = arith.addi %scan3A_16, %scan3A_17 : i32
      %scan3A_19 = arith.constant 1 : i32
      scf.for %scan3A_85 = %scan3A_16 to %scan3A_18 step %scan3A_19  : i32 {
        %mul3A_86 = arith.constant 16 : i32
        %mul3A_87 = arith.muli %scan3A_85, %mul3A_86 : i32
        %get3A = arith.index_cast %mul3A_87 : i32 to index
        %get3A_88 = tpu.vector_load %arg5[%get3A] {strides = array<i32>} : memref<512xi32, #tpu.memory_space<vmem>>, vector<16xi32>,
        %get3A_89 = vector.shape_cast %get3A_88 : vector<16xi32> to vector<16xi32>
        %add3A_90 = vector.broadcast %add3A_14 : i32 to vector<16xi32>
        %add3A_91 = arith.addi %get3A_89, %add3A_90 : vector<16xi32>
        %shift_right_arithmetic3A = arith.constant 9 : i32
        %shift_right_arithmetic3A_92 = vector.broadcast %shift_right_arithmetic3A : i32 to vector<16xi32>
        %shift_right_arithmetic3A_93 = arith.shrsi %add3A_91, %shift_right_arithmetic3A_92 : vector<16xi32>
        %shift_left3A = arith.constant 9 : i32
        %shift_left3A_94 = vector.broadcast %shift_left3A : i32 to vector<16xi32>
        %shift_left3A_95 = arith.shli %shift_right_arithmetic3A_93, %shift_left3A_94 : vector<16xi32>
        %and3A = arith.constant 127 : i32
        %and3A_96 = vector.broadcast %and3A : i32 to vector<16xi32>
        %and3A_97 = arith.andi %add3A_91, %and3A_96 : vector<16xi32>
        %shift_left3A_98 = arith.constant 2 : i32
        %shift_left3A_99 = vector.broadcast %shift_left3A_98 : i32 to vector<16xi32>
        %shift_left3A_100 = arith.shli %and3A_97, %shift_left3A_99 : vector<16xi32>
        %add3A_101 = arith.addi %shift_left3A_95, %shift_left3A_100 : vector<16xi32>
        %shift_right_arithmetic3A_102 = arith.constant 7 : i32
        %shift_right_arithmetic3A_103 = vector.broadcast %shift_right_arithmetic3A_102 : i32 to vector<16xi32>
        %shift_right_arithmetic3A_104 = arith.shrsi %add3A_91, %shift_right_arithmetic3A_103 : vector<16xi32>
        %and3A_105 = arith.constant 3 : i32
        %and3A_106 = vector.broadcast %and3A_105 : i32 to vector<16xi32>
        %and3A_107 = arith.andi %shift_right_arithmetic3A_104, %and3A_106 : vector<16xi32>
        %add3A_108 = arith.addi %add3A_101, %and3A_107 : vector<16xi32>
        %swap3A = arith.index_cast %mul3A_87 : i32 to index
        %swap3A_109 = tpu.vector_load %arg5[%swap3A] {strides = array<i32>} : memref<512xi32, #tpu.memory_space<vmem>>, vector<16xi32>,
        %swap3A_110 = vector.shape_cast %swap3A_109 : vector<16xi32> to vector<16xi32>
        %swap3A_111 = vector.shape_cast %add3A_108 : vector<16xi32> to vector<16xi32>
        tpu.vector_store %arg5[%swap3A], %swap3A_111 {strides = array<i32>} : memref<512xi32, #tpu.memory_space<vmem>>, vector<16xi32>,
      }
      %scan3A_20 = arith.constant 32 : i32
      %dma_start3A = arith.constant 0 : i32
      %dma_start3A_21 = arith.constant 0 : i32
      %dma_start3A_22 = tpu.memref_slice %arg6[%dma_start3A, %dma_start3A_21] : memref<512x32xf32, #tpu.memory_space<vmem>> -> memref<128x32xf32, #tpu.memory_space<vmem>>
      %dma_start3A_23 = arith.constant 0 : i32
      %dma_start3A_24 = tpu.memref_slice %arg5[%dma_start3A_23] : memref<512xi32, #tpu.memory_space<vmem>> -> memref<128xi32, #tpu.memory_space<vmem>>
      %dma_start3A_25 = arith.constant 0 : i32
      %dma_start3A_26 = arith.constant 0 : i32
      %dma_start3A_27 = tpu.memref_slice %arg3[%dma_start3A_25, %dma_start3A_26] : memref<1302528x32xf32, #tpu.memory_space<hbm>> -> memref<1302528x32xf32, #tpu.memory_space<hbm>>
      tpu.enqueue_indirect_dma source(%dma_start3A_27 : memref<1302528x32xf32, #tpu.memory_space<hbm>>) target(%dma_start3A_22 : memref<128x32xf32, #tpu.memory_space<vmem>>) offsets(%dma_start3A_24 : memref<128xi32, #tpu.memory_space<vmem>>) semaphore(%arg7 : memref<!tpu.dma_semaphore, #tpu.memory_space<semaphore_mem>>)
      %dma_start3A_28 = arith.constant 128 : i32
      %dma_start3A_29 = arith.constant 0 : i32
      %dma_start3A_30 = tpu.memref_slice %arg6[%dma_start3A_28, %dma_start3A_29] : memref<512x32xf32, #tpu.memory_space<vmem>> -> memref<128x32xf32, #tpu.memory_space<vmem>>
      %dma_start3A_31 = arith.constant 128 : i32
      %dma_start3A_32 = tpu.memref_slice %arg5[%dma_start3A_31] : memref<512xi32, #tpu.memory_space<vmem>> -> memref<128xi32, #tpu.memory_space<vmem>>
      %dma_start3A_33 = arith.constant 0 : i32
      %dma_start3A_34 = arith.constant 0 : i32
      %dma_start3A_35 = tpu.memref_slice %arg3[%dma_start3A_33, %dma_start3A_34] : memref<1302528x32xf32, #tpu.memory_space<hbm>> -> memref<1302528x32xf32, #tpu.memory_space<hbm>>
      tpu.enqueue_indirect_dma source(%dma_start3A_35 : memref<1302528x32xf32, #tpu.memory_space<hbm>>) target(%dma_start3A_30 : memref<128x32xf32, #tpu.memory_space<vmem>>) offsets(%dma_start3A_32 : memref<128xi32, #tpu.memory_space<vmem>>) semaphore(%arg7 : memref<!tpu.dma_semaphore, #tpu.memory_space<semaphore_mem>>)
      %dma_start3A_36 = arith.constant 256 : i32
      %dma_start3A_37 = arith.constant 0 : i32
      %dma_start3A_38 = tpu.memref_slice %arg6[%dma_start3A_36, %dma_start3A_37] : memref<512x32xf32, #tpu.memory_space<vmem>> -> memref<128x32xf32, #tpu.memory_space<vmem>>
      %dma_start3A_39 = arith.constant 256 : i32
      %dma_start3A_40 = tpu.memref_slice %arg5[%dma_start3A_39] : memref<512xi32, #tpu.memory_space<vmem>> -> memref<128xi32, #tpu.memory_space<vmem>>
      %dma_start3A_41 = arith.constant 0 : i32
      %dma_start3A_42 = arith.constant 0 : i32
      %dma_start3A_43 = tpu.memref_slice %arg3[%dma_start3A_41, %dma_start3A_42] : memref<1302528x32xf32, #tpu.memory_space<hbm>> -> memref<1302528x32xf32, #tpu.memory_space<hbm>>
      tpu.enqueue_indirect_dma source(%dma_start3A_43 : memref<1302528x32xf32, #tpu.memory_space<hbm>>) target(%dma_start3A_38 : memref<128x32xf32, #tpu.memory_space<vmem>>) offsets(%dma_start3A_40 : memref<128xi32, #tpu.memory_space<vmem>>) semaphore(%arg7 : memref<!tpu.dma_semaphore, #tpu.memory_space<semaphore_mem>>)
      %dma_start3A_44 = arith.constant 384 : i32
      %dma_start3A_45 = arith.constant 0 : i32
      %dma_start3A_46 = tpu.memref_slice %arg6[%dma_start3A_44, %dma_start3A_45] : memref<512x32xf32, #tpu.memory_space<vmem>> -> memref<128x32xf32, #tpu.memory_space<vmem>>
      %dma_start3A_47 = arith.constant 384 : i32
      %dma_start3A_48 = tpu.memref_slice %arg5[%dma_start3A_47] : memref<512xi32, #tpu.memory_space<vmem>> -> memref<128xi32, #tpu.memory_space<vmem>>
      %dma_start3A_49 = arith.constant 0 : i32
      %dma_start3A_50 = arith.constant 0 : i32
      %dma_start3A_51 = tpu.memref_slice %arg3[%dma_start3A_49, %dma_start3A_50] : memref<1302528x32xf32, #tpu.memory_space<hbm>> -> memref<1302528x32xf32, #tpu.memory_space<hbm>>
      tpu.enqueue_indirect_dma source(%dma_start3A_51 : memref<1302528x32xf32, #tpu.memory_space<hbm>>) target(%dma_start3A_46 : memref<128x32xf32, #tpu.memory_space<vmem>>) offsets(%dma_start3A_48 : memref<128xi32, #tpu.memory_space<vmem>>) semaphore(%arg7 : memref<!tpu.dma_semaphore, #tpu.memory_space<semaphore_mem>>)
      %dma_wait3A = arith.constant 0 : i32
      %dma_wait3A_52 = arith.constant 0 : i32
      %dma_wait3A_53 = tpu.memref_slice %arg6[%dma_wait3A, %dma_wait3A_52] : memref<512x32xf32, #tpu.memory_space<vmem>> -> memref<128x32xf32, #tpu.memory_space<vmem>>
      %dma_wait3A_54 = arith.constant 0 : i32
      %dma_wait3A_55 = tpu.memref_slice %arg5[%dma_wait3A_54] : memref<512xi32, #tpu.memory_space<vmem>> -> memref<128xi32, #tpu.memory_space<vmem>>
      %dma_wait3A_56 = arith.constant 0 : i32
      %dma_wait3A_57 = arith.constant 0 : i32
      %dma_wait3A_58 = tpu.memref_slice %arg3[%dma_wait3A_56, %dma_wait3A_57] : memref<1302528x32xf32, #tpu.memory_space<hbm>> -> memref<1302528x32xf32, #tpu.memory_space<hbm>>
      tpu.wait_indirect_dma semaphore(%arg7 : memref<!tpu.dma_semaphore, #tpu.memory_space<semaphore_mem>>) src(%dma_wait3A_58 : memref<1302528x32xf32, #tpu.memory_space<hbm>>) dst(%dma_wait3A_53 : memref<128x32xf32, #tpu.memory_space<vmem>>)
      %dma_wait3A_59 = arith.constant 128 : i32
      %dma_wait3A_60 = arith.constant 0 : i32
      %dma_wait3A_61 = tpu.memref_slice %arg6[%dma_wait3A_59, %dma_wait3A_60] : memref<512x32xf32, #tpu.memory_space<vmem>> -> memref<128x32xf32, #tpu.memory_space<vmem>>
      %dma_wait3A_62 = arith.constant 128 : i32
      %dma_wait3A_63 = tpu.memref_slice %arg5[%dma_wait3A_62] : memref<512xi32, #tpu.memory_space<vmem>> -> memref<128xi32, #tpu.memory_space<vmem>>
      %dma_wait3A_64 = arith.constant 0 : i32
      %dma_wait3A_65 = arith.constant 0 : i32
      %dma_wait3A_66 = tpu.memref_slice %arg3[%dma_wait3A_64, %dma_wait3A_65] : memref<1302528x32xf32, #tpu.memory_space<hbm>> -> memref<1302528x32xf32, #tpu.memory_space<hbm>>
      tpu.wait_indirect_dma semaphore(%arg7 : memref<!tpu.dma_semaphore, #tpu.memory_space<semaphore_mem>>) src(%dma_wait3A_66 : memref<1302528x32xf32, #tpu.memory_space<hbm>>) dst(%dma_wait3A_61 : memref<128x32xf32, #tpu.memory_space<vmem>>)
      %dma_wait3A_67 = arith.constant 256 : i32
      %dma_wait3A_68 = arith.constant 0 : i32
      %dma_wait3A_69 = tpu.memref_slice %arg6[%dma_wait3A_67, %dma_wait3A_68] : memref<512x32xf32, #tpu.memory_space<vmem>> -> memref<128x32xf32, #tpu.memory_space<vmem>>
      %dma_wait3A_70 = arith.constant 256 : i32
      %dma_wait3A_71 = tpu.memref_slice %arg5[%dma_wait3A_70] : memref<512xi32, #tpu.memory_space<vmem>> -> memref<128xi32, #tpu.memory_space<vmem>>
      %dma_wait3A_72 = arith.constant 0 : i32
      %dma_wait3A_73 = arith.constant 0 : i32
      %dma_wait3A_74 = tpu.memref_slice %arg3[%dma_wait3A_72, %dma_wait3A_73] : memref<1302528x32xf32, #tpu.memory_space<hbm>> -> memref<1302528x32xf32, #tpu.memory_space<hbm>>
      tpu.wait_indirect_dma semaphore(%arg7 : memref<!tpu.dma_semaphore, #tpu.memory_space<semaphore_mem>>) src(%dma_wait3A_74 : memref<1302528x32xf32, #tpu.memory_space<hbm>>) dst(%dma_wait3A_69 : memref<128x32xf32, #tpu.memory_space<vmem>>)
      %dma_wait3A_75 = arith.constant 384 : i32
      %dma_wait3A_76 = arith.constant 0 : i32
      %dma_wait3A_77 = tpu.memref_slice %arg6[%dma_wait3A_75, %dma_wait3A_76] : memref<512x32xf32, #tpu.memory_space<vmem>> -> memref<128x32xf32, #tpu.memory_space<vmem>>
      %dma_wait3A_78 = arith.constant 384 : i32
      %dma_wait3A_79 = tpu.memref_slice %arg5[%dma_wait3A_78] : memref<512xi32, #tpu.memory_space<vmem>> -> memref<128xi32, #tpu.memory_space<vmem>>
      %dma_wait3A_80 = arith.constant 0 : i32
      %dma_wait3A_81 = arith.constant 0 : i32
      %dma_wait3A_82 = tpu.memref_slice %arg3[%dma_wait3A_80, %dma_wait3A_81] : memref<1302528x32xf32, #tpu.memory_space<hbm>> -> memref<1302528x32xf32, #tpu.memory_space<hbm>>
      tpu.wait_indirect_dma semaphore(%arg7 : memref<!tpu.dma_semaphore, #tpu.memory_space<semaphore_mem>>) src(%dma_wait3A_82 : memref<1302528x32xf32, #tpu.memory_space<hbm>>) dst(%dma_wait3A_77 : memref<128x32xf32, #tpu.memory_space<vmem>>)
      %mul3A_83 = arith.constant 32 : i32
      %mul3A_84 = arith.muli %scan3A_8, %mul3A_83 : i32
      "tpu.region"() ({
        %run_scoped3A = tpu.sem_alloc : memref<!tpu.dma_semaphore, #tpu.memory_space<semaphore_mem>>
        %dma_start3A_85 = tpu.memref_slice %arg4[%mul3A_2, %mul3A_84] : memref<16384x416xf32, #tpu.memory_space<hbm>> -> memref<512x32xf32, #tpu.memory_space<hbm>>
        %dma_start3A_86 = tpu.memref_slice %arg4[%mul3A_2, %mul3A_84] : memref<16384x416xf32, #tpu.memory_space<hbm>> -> memref<512x32xf32, #tpu.memory_space<hbm>>
        tpu.enqueue_dma source(%arg6 : memref<512x32xf32, #tpu.memory_space<vmem>>) target(%dma_start3A_86 : memref<512x32xf32, #tpu.memory_space<hbm>>) target_semaphore(%run_scoped3A : memref<!tpu.dma_semaphore, #tpu.memory_space<semaphore_mem>>)
        %dma_wait3A_87 = tpu.memref_slice %arg4[%mul3A_2, %mul3A_84] : memref<16384x416xf32, #tpu.memory_space<hbm>> -> memref<512x32xf32, #tpu.memory_space<hbm>>
        %dma_wait3A_88 = tpu.memref_slice %arg4[%mul3A_2, %mul3A_84] : memref<16384x416xf32, #tpu.memory_space<hbm>> -> memref<512x32xf32, #tpu.memory_space<hbm>>
        tpu.wait_dma2 semaphore(%run_scoped3A : memref<!tpu.dma_semaphore, #tpu.memory_space<semaphore_mem>>) src(%arg6 : memref<512x32xf32, #tpu.memory_space<vmem>>) dst(%dma_wait3A_88 : memref<512x32xf32, #tpu.memory_space<hbm>>)
        tpu.yield
      }) : () -> ()
    }
    %scan3A_7 = arith.constant 13 : i32
    return
  }
}

module attributes {stable_mosaic.version = 14 : i64} {
  func.func @_tr_body(%arg0: i32, %arg1: memref<32x8192xf32, #tpu.memory_space<vmem>>, %arg2: memref<2048x128xf32, #tpu.memory_space<vmem>>) attributes {dimension_semantics = [#tpu.dimension_semantics<arbitrary>], iteration_bounds = array<i64: 160>, scalar_prefetch = 0 : i64, scratch_operands = 0 : i64, tpu.core_type = #tpu.core_type<tc>, window_params = [{transform_indices = @transform_0, window_bounds = array<i64: 32, 8192>}, {transform_indices = @transform_1, window_bounds = array<i64: 2048, 128>}]} {
    %get3A = arith.constant 0 : index
    %get3A_0 = arith.constant 0 : index
    %get3A_1 = vector.load %arg1[%get3A, %get3A_0] : memref<32x8192xf32, #tpu.memory_space<vmem>>, vector<32x128xf32>
    %get3A_2 = arith.constant 0 : index
    %get3A_3 = arith.constant 128 : index
    %get3A_4 = vector.load %arg1[%get3A_2, %get3A_3] : memref<32x8192xf32, #tpu.memory_space<vmem>>, vector<32x128xf32>
    %get3A_5 = arith.constant 0 : index
    %get3A_6 = arith.constant 256 : index
    %get3A_7 = vector.load %arg1[%get3A_5, %get3A_6] : memref<32x8192xf32, #tpu.memory_space<vmem>>, vector<32x128xf32>
    %get3A_8 = arith.constant 0 : index
    %get3A_9 = arith.constant 384 : index
    %get3A_10 = vector.load %arg1[%get3A_8, %get3A_9] : memref<32x8192xf32, #tpu.memory_space<vmem>>, vector<32x128xf32>
    %concatenate3A = tpu.concatenate %get3A_1, %get3A_4, %get3A_7, %get3A_10 in 0 : vector<32x128xf32>, vector<32x128xf32>, vector<32x128xf32>, vector<32x128xf32> -> vector<128x128xf32>
    %transpose3A = tpu.transpose %concatenate3A, [1, 0] : vector<128x128xf32> -> vector<128x128xf32>
    %swap3A = arith.constant 0 : index
    %swap3A_11 = arith.constant 0 : index
    %swap3A_12 = vector.load %arg2[%swap3A, %swap3A_11] : memref<2048x128xf32, #tpu.memory_space<vmem>>, vector<128x128xf32>
    tpu.vector_store %arg2[%swap3A, %swap3A_11], %transpose3A {strides = array<i32>} : memref<2048x128xf32, #tpu.memory_space<vmem>>, vector<128x128xf32>,
    %get3A_13 = arith.constant 0 : index
    %get3A_14 = arith.constant 512 : index
    %get3A_15 = vector.load %arg1[%get3A_13, %get3A_14] : memref<32x8192xf32, #tpu.memory_space<vmem>>, vector<32x128xf32>
    %get3A_16 = arith.constant 0 : index
    %get3A_17 = arith.constant 640 : index
    %get3A_18 = vector.load %arg1[%get3A_16, %get3A_17] : memref<32x8192xf32, #tpu.memory_space<vmem>>, vector<32x128xf32>
    %get3A_19 = arith.constant 0 : index
    %get3A_20 = arith.constant 768 : index
    %get3A_21 = vector.load %arg1[%get3A_19, %get3A_20] : memref<32x8192xf32, #tpu.memory_space<vmem>>, vector<32x128xf32>
    %get3A_22 = arith.constant 0 : index
    %get3A_23 = arith.constant 896 : index
    %get3A_24 = vector.load %arg1[%get3A_22, %get3A_23] : memref<32x8192xf32, #tpu.memory_space<vmem>>, vector<32x128xf32>
    %concatenate3A_25 = tpu.concatenate %get3A_15, %get3A_18, %get3A_21, %get3A_24 in 0 : vector<32x128xf32>, vector<32x128xf32>, vector<32x128xf32>, vector<32x128xf32> -> vector<128x128xf32>
    %transpose3A_26 = tpu.transpose %concatenate3A_25, [1, 0] : vector<128x128xf32> -> vector<128x128xf32>
    %swap3A_27 = arith.constant 128 : index
    %swap3A_28 = arith.constant 0 : index
    %swap3A_29 = vector.load %arg2[%swap3A_27, %swap3A_28] : memref<2048x128xf32, #tpu.memory_space<vmem>>, vector<128x128xf32>
    tpu.vector_store %arg2[%swap3A_27, %swap3A_28], %transpose3A_26 {strides = array<i32>} : memref<2048x128xf32, #tpu.memory_space<vmem>>, vector<128x128xf32>,
    %get3A_30 = arith.constant 0 : index
    %get3A_31 = arith.constant 1024 : index
    %get3A_32 = vector.load %arg1[%get3A_30, %get3A_31] : memref<32x8192xf32, #tpu.memory_space<vmem>>, vector<32x128xf32>
    %get3A_33 = arith.constant 0 : index
    %get3A_34 = arith.constant 1152 : index
    %get3A_35 = vector.load %arg1[%get3A_33, %get3A_34] : memref<32x8192xf32, #tpu.memory_space<vmem>>, vector<32x128xf32>
    %get3A_36 = arith.constant 0 : index
    %get3A_37 = arith.constant 1280 : index
    %get3A_38 = vector.load %arg1[%get3A_36, %get3A_37] : memref<32x8192xf32, #tpu.memory_space<vmem>>, vector<32x128xf32>
    %get3A_39 = arith.constant 0 : index
    %get3A_40 = arith.constant 1408 : index
    %get3A_41 = vector.load %arg1[%get3A_39, %get3A_40] : memref<32x8192xf32, #tpu.memory_space<vmem>>, vector<32x128xf32>
    %concatenate3A_42 = tpu.concatenate %get3A_32, %get3A_35, %get3A_38, %get3A_41 in 0 : vector<32x128xf32>, vector<32x128xf32>, vector<32x128xf32>, vector<32x128xf32> -> vector<128x128xf32>
    %transpose3A_43 = tpu.transpose %concatenate3A_42, [1, 0] : vector<128x128xf32> -> vector<128x128xf32>
    %swap3A_44 = arith.constant 256 : index
    %swap3A_45 = arith.constant 0 : index
    %swap3A_46 = vector.load %arg2[%swap3A_44, %swap3A_45] : memref<2048x128xf32, #tpu.memory_space<vmem>>, vector<128x128xf32>
    tpu.vector_store %arg2[%swap3A_44, %swap3A_45], %transpose3A_43 {strides = array<i32>} : memref<2048x128xf32, #tpu.memory_space<vmem>>, vector<128x128xf32>,
    %get3A_47 = arith.constant 0 : index
    %get3A_48 = arith.constant 1536 : index
    %get3A_49 = vector.load %arg1[%get3A_47, %get3A_48] : memref<32x8192xf32, #tpu.memory_space<vmem>>, vector<32x128xf32>
    %get3A_50 = arith.constant 0 : index
    %get3A_51 = arith.constant 1664 : index
    %get3A_52 = vector.load %arg1[%get3A_50, %get3A_51] : memref<32x8192xf32, #tpu.memory_space<vmem>>, vector<32x128xf32>
    %get3A_53 = arith.constant 0 : index
    %get3A_54 = arith.constant 1792 : index
    %get3A_55 = vector.load %arg1[%get3A_53, %get3A_54] : memref<32x8192xf32, #tpu.memory_space<vmem>>, vector<32x128xf32>
    %get3A_56 = arith.constant 0 : index
    %get3A_57 = arith.constant 1920 : index
    %get3A_58 = vector.load %arg1[%get3A_56, %get3A_57] : memref<32x8192xf32, #tpu.memory_space<vmem>>, vector<32x128xf32>
    %concatenate3A_59 = tpu.concatenate %get3A_49, %get3A_52, %get3A_55, %get3A_58 in 0 : vector<32x128xf32>, vector<32x128xf32>, vector<32x128xf32>, vector<32x128xf32> -> vector<128x128xf32>
    %transpose3A_60 = tpu.transpose %concatenate3A_59, [1, 0] : vector<128x128xf32> -> vector<128x128xf32>
    %swap3A_61 = arith.constant 384 : index
    %swap3A_62 = arith.constant 0 : index
    %swap3A_63 = vector.load %arg2[%swap3A_61, %swap3A_62] : memref<2048x128xf32, #tpu.memory_space<vmem>>, vector<128x128xf32>
    tpu.vector_store %arg2[%swap3A_61, %swap3A_62], %transpose3A_60 {strides = array<i32>} : memref<2048x128xf32, #tpu.memory_space<vmem>>, vector<128x128xf32>,
    %get3A_64 = arith.constant 0 : index
    %get3A_65 = arith.constant 2048 : index
    %get3A_66 = vector.load %arg1[%get3A_64, %get3A_65] : memref<32x8192xf32, #tpu.memory_space<vmem>>, vector<32x128xf32>
    %get3A_67 = arith.constant 0 : index
    %get3A_68 = arith.constant 2176 : index
    %get3A_69 = vector.load %arg1[%get3A_67, %get3A_68] : memref<32x8192xf32, #tpu.memory_space<vmem>>, vector<32x128xf32>
    %get3A_70 = arith.constant 0 : index
    %get3A_71 = arith.constant 2304 : index
    %get3A_72 = vector.load %arg1[%get3A_70, %get3A_71] : memref<32x8192xf32, #tpu.memory_space<vmem>>, vector<32x128xf32>
    %get3A_73 = arith.constant 0 : index
    %get3A_74 = arith.constant 2432 : index
    %get3A_75 = vector.load %arg1[%get3A_73, %get3A_74] : memref<32x8192xf32, #tpu.memory_space<vmem>>, vector<32x128xf32>
    %concatenate3A_76 = tpu.concatenate %get3A_66, %get3A_69, %get3A_72, %get3A_75 in 0 : vector<32x128xf32>, vector<32x128xf32>, vector<32x128xf32>, vector<32x128xf32> -> vector<128x128xf32>
    %transpose3A_77 = tpu.transpose %concatenate3A_76, [1, 0] : vector<128x128xf32> -> vector<128x128xf32>
    %swap3A_78 = arith.constant 512 : index
    %swap3A_79 = arith.constant 0 : index
    %swap3A_80 = vector.load %arg2[%swap3A_78, %swap3A_79] : memref<2048x128xf32, #tpu.memory_space<vmem>>, vector<128x128xf32>
    tpu.vector_store %arg2[%swap3A_78, %swap3A_79], %transpose3A_77 {strides = array<i32>} : memref<2048x128xf32, #tpu.memory_space<vmem>>, vector<128x128xf32>,
    %get3A_81 = arith.constant 0 : index
    %get3A_82 = arith.constant 2560 : index
    %get3A_83 = vector.load %arg1[%get3A_81, %get3A_82] : memref<32x8192xf32, #tpu.memory_space<vmem>>, vector<32x128xf32>
    %get3A_84 = arith.constant 0 : index
    %get3A_85 = arith.constant 2688 : index
    %get3A_86 = vector.load %arg1[%get3A_84, %get3A_85] : memref<32x8192xf32, #tpu.memory_space<vmem>>, vector<32x128xf32>
    %get3A_87 = arith.constant 0 : index
    %get3A_88 = arith.constant 2816 : index
    %get3A_89 = vector.load %arg1[%get3A_87, %get3A_88] : memref<32x8192xf32, #tpu.memory_space<vmem>>, vector<32x128xf32>
    %get3A_90 = arith.constant 0 : index
    %get3A_91 = arith.constant 2944 : index
    %get3A_92 = vector.load %arg1[%get3A_90, %get3A_91] : memref<32x8192xf32, #tpu.memory_space<vmem>>, vector<32x128xf32>
    %concatenate3A_93 = tpu.concatenate %get3A_83, %get3A_86, %get3A_89, %get3A_92 in 0 : vector<32x128xf32>, vector<32x128xf32>, vector<32x128xf32>, vector<32x128xf32> -> vector<128x128xf32>
    %transpose3A_94 = tpu.transpose %concatenate3A_93, [1, 0] : vector<128x128xf32> -> vector<128x128xf32>
    %swap3A_95 = arith.constant 640 : index
    %swap3A_96 = arith.constant 0 : index
    %swap3A_97 = vector.load %arg2[%swap3A_95, %swap3A_96] : memref<2048x128xf32, #tpu.memory_space<vmem>>, vector<128x128xf32>
    tpu.vector_store %arg2[%swap3A_95, %swap3A_96], %transpose3A_94 {strides = array<i32>} : memref<2048x128xf32, #tpu.memory_space<vmem>>, vector<128x128xf32>,
    %get3A_98 = arith.constant 0 : index
    %get3A_99 = arith.constant 3072 : index
    %get3A_100 = vector.load %arg1[%get3A_98, %get3A_99] : memref<32x8192xf32, #tpu.memory_space<vmem>>, vector<32x128xf32>
    %get3A_101 = arith.constant 0 : index
    %get3A_102 = arith.constant 3200 : index
    %get3A_103 = vector.load %arg1[%get3A_101, %get3A_102] : memref<32x8192xf32, #tpu.memory_space<vmem>>, vector<32x128xf32>
    %get3A_104 = arith.constant 0 : index
    %get3A_105 = arith.constant 3328 : index
    %get3A_106 = vector.load %arg1[%get3A_104, %get3A_105] : memref<32x8192xf32, #tpu.memory_space<vmem>>, vector<32x128xf32>
    %get3A_107 = arith.constant 0 : index
    %get3A_108 = arith.constant 3456 : index
    %get3A_109 = vector.load %arg1[%get3A_107, %get3A_108] : memref<32x8192xf32, #tpu.memory_space<vmem>>, vector<32x128xf32>
    %concatenate3A_110 = tpu.concatenate %get3A_100, %get3A_103, %get3A_106, %get3A_109 in 0 : vector<32x128xf32>, vector<32x128xf32>, vector<32x128xf32>, vector<32x128xf32> -> vector<128x128xf32>
    %transpose3A_111 = tpu.transpose %concatenate3A_110, [1, 0] : vector<128x128xf32> -> vector<128x128xf32>
    %swap3A_112 = arith.constant 768 : index
    %swap3A_113 = arith.constant 0 : index
    %swap3A_114 = vector.load %arg2[%swap3A_112, %swap3A_113] : memref<2048x128xf32, #tpu.memory_space<vmem>>, vector<128x128xf32>
    tpu.vector_store %arg2[%swap3A_112, %swap3A_113], %transpose3A_111 {strides = array<i32>} : memref<2048x128xf32, #tpu.memory_space<vmem>>, vector<128x128xf32>,
    %get3A_115 = arith.constant 0 : index
    %get3A_116 = arith.constant 3584 : index
    %get3A_117 = vector.load %arg1[%get3A_115, %get3A_116] : memref<32x8192xf32, #tpu.memory_space<vmem>>, vector<32x128xf32>
    %get3A_118 = arith.constant 0 : index
    %get3A_119 = arith.constant 3712 : index
    %get3A_120 = vector.load %arg1[%get3A_118, %get3A_119] : memref<32x8192xf32, #tpu.memory_space<vmem>>, vector<32x128xf32>
    %get3A_121 = arith.constant 0 : index
    %get3A_122 = arith.constant 3840 : index
    %get3A_123 = vector.load %arg1[%get3A_121, %get3A_122] : memref<32x8192xf32, #tpu.memory_space<vmem>>, vector<32x128xf32>
    %get3A_124 = arith.constant 0 : index
    %get3A_125 = arith.constant 3968 : index
    %get3A_126 = vector.load %arg1[%get3A_124, %get3A_125] : memref<32x8192xf32, #tpu.memory_space<vmem>>, vector<32x128xf32>
    %concatenate3A_127 = tpu.concatenate %get3A_117, %get3A_120, %get3A_123, %get3A_126 in 0 : vector<32x128xf32>, vector<32x128xf32>, vector<32x128xf32>, vector<32x128xf32> -> vector<128x128xf32>
    %transpose3A_128 = tpu.transpose %concatenate3A_127, [1, 0] : vector<128x128xf32> -> vector<128x128xf32>
    %swap3A_129 = arith.constant 896 : index
    %swap3A_130 = arith.constant 0 : index
    %swap3A_131 = vector.load %arg2[%swap3A_129, %swap3A_130] : memref<2048x128xf32, #tpu.memory_space<vmem>>, vector<128x128xf32>
    tpu.vector_store %arg2[%swap3A_129, %swap3A_130], %transpose3A_128 {strides = array<i32>} : memref<2048x128xf32, #tpu.memory_space<vmem>>, vector<128x128xf32>,
    %get3A_132 = arith.constant 0 : index
    %get3A_133 = arith.constant 4096 : index
    %get3A_134 = vector.load %arg1[%get3A_132, %get3A_133] : memref<32x8192xf32, #tpu.memory_space<vmem>>, vector<32x128xf32>
    %get3A_135 = arith.constant 0 : index
    %get3A_136 = arith.constant 4224 : index
    %get3A_137 = vector.load %arg1[%get3A_135, %get3A_136] : memref<32x8192xf32, #tpu.memory_space<vmem>>, vector<32x128xf32>
    %get3A_138 = arith.constant 0 : index
    %get3A_139 = arith.constant 4352 : index
    %get3A_140 = vector.load %arg1[%get3A_138, %get3A_139] : memref<32x8192xf32, #tpu.memory_space<vmem>>, vector<32x128xf32>
    %get3A_141 = arith.constant 0 : index
    %get3A_142 = arith.constant 4480 : index
    %get3A_143 = vector.load %arg1[%get3A_141, %get3A_142] : memref<32x8192xf32, #tpu.memory_space<vmem>>, vector<32x128xf32>
    %concatenate3A_144 = tpu.concatenate %get3A_134, %get3A_137, %get3A_140, %get3A_143 in 0 : vector<32x128xf32>, vector<32x128xf32>, vector<32x128xf32>, vector<32x128xf32> -> vector<128x128xf32>
    %transpose3A_145 = tpu.transpose %concatenate3A_144, [1, 0] : vector<128x128xf32> -> vector<128x128xf32>
    %swap3A_146 = arith.constant 1024 : index
    %swap3A_147 = arith.constant 0 : index
    %swap3A_148 = vector.load %arg2[%swap3A_146, %swap3A_147] : memref<2048x128xf32, #tpu.memory_space<vmem>>, vector<128x128xf32>
    tpu.vector_store %arg2[%swap3A_146, %swap3A_147], %transpose3A_145 {strides = array<i32>} : memref<2048x128xf32, #tpu.memory_space<vmem>>, vector<128x128xf32>,
    %get3A_149 = arith.constant 0 : index
    %get3A_150 = arith.constant 4608 : index
    %get3A_151 = vector.load %arg1[%get3A_149, %get3A_150] : memref<32x8192xf32, #tpu.memory_space<vmem>>, vector<32x128xf32>
    %get3A_152 = arith.constant 0 : index
    %get3A_153 = arith.constant 4736 : index
    %get3A_154 = vector.load %arg1[%get3A_152, %get3A_153] : memref<32x8192xf32, #tpu.memory_space<vmem>>, vector<32x128xf32>
    %get3A_155 = arith.constant 0 : index
    %get3A_156 = arith.constant 4864 : index
    %get3A_157 = vector.load %arg1[%get3A_155, %get3A_156] : memref<32x8192xf32, #tpu.memory_space<vmem>>, vector<32x128xf32>
    %get3A_158 = arith.constant 0 : index
    %get3A_159 = arith.constant 4992 : index
    %get3A_160 = vector.load %arg1[%get3A_158, %get3A_159] : memref<32x8192xf32, #tpu.memory_space<vmem>>, vector<32x128xf32>
    %concatenate3A_161 = tpu.concatenate %get3A_151, %get3A_154, %get3A_157, %get3A_160 in 0 : vector<32x128xf32>, vector<32x128xf32>, vector<32x128xf32>, vector<32x128xf32> -> vector<128x128xf32>
    %transpose3A_162 = tpu.transpose %concatenate3A_161, [1, 0] : vector<128x128xf32> -> vector<128x128xf32>
    %swap3A_163 = arith.constant 1152 : index
    %swap3A_164 = arith.constant 0 : index
    %swap3A_165 = vector.load %arg2[%swap3A_163, %swap3A_164] : memref<2048x128xf32, #tpu.memory_space<vmem>>, vector<128x128xf32>
    tpu.vector_store %arg2[%swap3A_163, %swap3A_164], %transpose3A_162 {strides = array<i32>} : memref<2048x128xf32, #tpu.memory_space<vmem>>, vector<128x128xf32>,
    %get3A_166 = arith.constant 0 : index
    %get3A_167 = arith.constant 5120 : index
    %get3A_168 = vector.load %arg1[%get3A_166, %get3A_167] : memref<32x8192xf32, #tpu.memory_space<vmem>>, vector<32x128xf32>
    %get3A_169 = arith.constant 0 : index
    %get3A_170 = arith.constant 5248 : index
    %get3A_171 = vector.load %arg1[%get3A_169, %get3A_170] : memref<32x8192xf32, #tpu.memory_space<vmem>>, vector<32x128xf32>
    %get3A_172 = arith.constant 0 : index
    %get3A_173 = arith.constant 5376 : index
    %get3A_174 = vector.load %arg1[%get3A_172, %get3A_173] : memref<32x8192xf32, #tpu.memory_space<vmem>>, vector<32x128xf32>
    %get3A_175 = arith.constant 0 : index
    %get3A_176 = arith.constant 5504 : index
    %get3A_177 = vector.load %arg1[%get3A_175, %get3A_176] : memref<32x8192xf32, #tpu.memory_space<vmem>>, vector<32x128xf32>
    %concatenate3A_178 = tpu.concatenate %get3A_168, %get3A_171, %get3A_174, %get3A_177 in 0 : vector<32x128xf32>, vector<32x128xf32>, vector<32x128xf32>, vector<32x128xf32> -> vector<128x128xf32>
    %transpose3A_179 = tpu.transpose %concatenate3A_178, [1, 0] : vector<128x128xf32> -> vector<128x128xf32>
    %swap3A_180 = arith.constant 1280 : index
    %swap3A_181 = arith.constant 0 : index
    %swap3A_182 = vector.load %arg2[%swap3A_180, %swap3A_181] : memref<2048x128xf32, #tpu.memory_space<vmem>>, vector<128x128xf32>
    tpu.vector_store %arg2[%swap3A_180, %swap3A_181], %transpose3A_179 {strides = array<i32>} : memref<2048x128xf32, #tpu.memory_space<vmem>>, vector<128x128xf32>,
    %get3A_183 = arith.constant 0 : index
    %get3A_184 = arith.constant 5632 : index
    %get3A_185 = vector.load %arg1[%get3A_183, %get3A_184] : memref<32x8192xf32, #tpu.memory_space<vmem>>, vector<32x128xf32>
    %get3A_186 = arith.constant 0 : index
    %get3A_187 = arith.constant 5760 : index
    %get3A_188 = vector.load %arg1[%get3A_186, %get3A_187] : memref<32x8192xf32, #tpu.memory_space<vmem>>, vector<32x128xf32>
    %get3A_189 = arith.constant 0 : index
    %get3A_190 = arith.constant 5888 : index
    %get3A_191 = vector.load %arg1[%get3A_189, %get3A_190] : memref<32x8192xf32, #tpu.memory_space<vmem>>, vector<32x128xf32>
    %get3A_192 = arith.constant 0 : index
    %get3A_193 = arith.constant 6016 : index
    %get3A_194 = vector.load %arg1[%get3A_192, %get3A_193] : memref<32x8192xf32, #tpu.memory_space<vmem>>, vector<32x128xf32>
    %concatenate3A_195 = tpu.concatenate %get3A_185, %get3A_188, %get3A_191, %get3A_194 in 0 : vector<32x128xf32>, vector<32x128xf32>, vector<32x128xf32>, vector<32x128xf32> -> vector<128x128xf32>
    %transpose3A_196 = tpu.transpose %concatenate3A_195, [1, 0] : vector<128x128xf32> -> vector<128x128xf32>
    %swap3A_197 = arith.constant 1408 : index
    %swap3A_198 = arith.constant 0 : index
    %swap3A_199 = vector.load %arg2[%swap3A_197, %swap3A_198] : memref<2048x128xf32, #tpu.memory_space<vmem>>, vector<128x128xf32>
    tpu.vector_store %arg2[%swap3A_197, %swap3A_198], %transpose3A_196 {strides = array<i32>} : memref<2048x128xf32, #tpu.memory_space<vmem>>, vector<128x128xf32>,
    %get3A_200 = arith.constant 0 : index
    %get3A_201 = arith.constant 6144 : index
    %get3A_202 = vector.load %arg1[%get3A_200, %get3A_201] : memref<32x8192xf32, #tpu.memory_space<vmem>>, vector<32x128xf32>
    %get3A_203 = arith.constant 0 : index
    %get3A_204 = arith.constant 6272 : index
    %get3A_205 = vector.load %arg1[%get3A_203, %get3A_204] : memref<32x8192xf32, #tpu.memory_space<vmem>>, vector<32x128xf32>
    %get3A_206 = arith.constant 0 : index
    %get3A_207 = arith.constant 6400 : index
    %get3A_208 = vector.load %arg1[%get3A_206, %get3A_207] : memref<32x8192xf32, #tpu.memory_space<vmem>>, vector<32x128xf32>
    %get3A_209 = arith.constant 0 : index
    %get3A_210 = arith.constant 6528 : index
    %get3A_211 = vector.load %arg1[%get3A_209, %get3A_210] : memref<32x8192xf32, #tpu.memory_space<vmem>>, vector<32x128xf32>
    %concatenate3A_212 = tpu.concatenate %get3A_202, %get3A_205, %get3A_208, %get3A_211 in 0 : vector<32x128xf32>, vector<32x128xf32>, vector<32x128xf32>, vector<32x128xf32> -> vector<128x128xf32>
    %transpose3A_213 = tpu.transpose %concatenate3A_212, [1, 0] : vector<128x128xf32> -> vector<128x128xf32>
    %swap3A_214 = arith.constant 1536 : index
    %swap3A_215 = arith.constant 0 : index
    %swap3A_216 = vector.load %arg2[%swap3A_214, %swap3A_215] : memref<2048x128xf32, #tpu.memory_space<vmem>>, vector<128x128xf32>
    tpu.vector_store %arg2[%swap3A_214, %swap3A_215], %transpose3A_213 {strides = array<i32>} : memref<2048x128xf32, #tpu.memory_space<vmem>>, vector<128x128xf32>,
    %get3A_217 = arith.constant 0 : index
    %get3A_218 = arith.constant 6656 : index
    %get3A_219 = vector.load %arg1[%get3A_217, %get3A_218] : memref<32x8192xf32, #tpu.memory_space<vmem>>, vector<32x128xf32>
    %get3A_220 = arith.constant 0 : index
    %get3A_221 = arith.constant 6784 : index
    %get3A_222 = vector.load %arg1[%get3A_220, %get3A_221] : memref<32x8192xf32, #tpu.memory_space<vmem>>, vector<32x128xf32>
    %get3A_223 = arith.constant 0 : index
    %get3A_224 = arith.constant 6912 : index
    %get3A_225 = vector.load %arg1[%get3A_223, %get3A_224] : memref<32x8192xf32, #tpu.memory_space<vmem>>, vector<32x128xf32>
    %get3A_226 = arith.constant 0 : index
    %get3A_227 = arith.constant 7040 : index
    %get3A_228 = vector.load %arg1[%get3A_226, %get3A_227] : memref<32x8192xf32, #tpu.memory_space<vmem>>, vector<32x128xf32>
    %concatenate3A_229 = tpu.concatenate %get3A_219, %get3A_222, %get3A_225, %get3A_228 in 0 : vector<32x128xf32>, vector<32x128xf32>, vector<32x128xf32>, vector<32x128xf32> -> vector<128x128xf32>
    %transpose3A_230 = tpu.transpose %concatenate3A_229, [1, 0] : vector<128x128xf32> -> vector<128x128xf32>
    %swap3A_231 = arith.constant 1664 : index
    %swap3A_232 = arith.constant 0 : index
    %swap3A_233 = vector.load %arg2[%swap3A_231, %swap3A_232] : memref<2048x128xf32, #tpu.memory_space<vmem>>, vector<128x128xf32>
    tpu.vector_store %arg2[%swap3A_231, %swap3A_232], %transpose3A_230 {strides = array<i32>} : memref<2048x128xf32, #tpu.memory_space<vmem>>, vector<128x128xf32>,
    %get3A_234 = arith.constant 0 : index
    %get3A_235 = arith.constant 7168 : index
    %get3A_236 = vector.load %arg1[%get3A_234, %get3A_235] : memref<32x8192xf32, #tpu.memory_space<vmem>>, vector<32x128xf32>
    %get3A_237 = arith.constant 0 : index
    %get3A_238 = arith.constant 7296 : index
    %get3A_239 = vector.load %arg1[%get3A_237, %get3A_238] : memref<32x8192xf32, #tpu.memory_space<vmem>>, vector<32x128xf32>
    %get3A_240 = arith.constant 0 : index
    %get3A_241 = arith.constant 7424 : index
    %get3A_242 = vector.load %arg1[%get3A_240, %get3A_241] : memref<32x8192xf32, #tpu.memory_space<vmem>>, vector<32x128xf32>
    %get3A_243 = arith.constant 0 : index
    %get3A_244 = arith.constant 7552 : index
    %get3A_245 = vector.load %arg1[%get3A_243, %get3A_244] : memref<32x8192xf32, #tpu.memory_space<vmem>>, vector<32x128xf32>
    %concatenate3A_246 = tpu.concatenate %get3A_236, %get3A_239, %get3A_242, %get3A_245 in 0 : vector<32x128xf32>, vector<32x128xf32>, vector<32x128xf32>, vector<32x128xf32> -> vector<128x128xf32>
    %transpose3A_247 = tpu.transpose %concatenate3A_246, [1, 0] : vector<128x128xf32> -> vector<128x128xf32>
    %swap3A_248 = arith.constant 1792 : index
    %swap3A_249 = arith.constant 0 : index
    %swap3A_250 = vector.load %arg2[%swap3A_248, %swap3A_249] : memref<2048x128xf32, #tpu.memory_space<vmem>>, vector<128x128xf32>
    tpu.vector_store %arg2[%swap3A_248, %swap3A_249], %transpose3A_247 {strides = array<i32>} : memref<2048x128xf32, #tpu.memory_space<vmem>>, vector<128x128xf32>,
    %get3A_251 = arith.constant 0 : index
    %get3A_252 = arith.constant 7680 : index
    %get3A_253 = vector.load %arg1[%get3A_251, %get3A_252] : memref<32x8192xf32, #tpu.memory_space<vmem>>, vector<32x128xf32>
    %get3A_254 = arith.constant 0 : index
    %get3A_255 = arith.constant 7808 : index
    %get3A_256 = vector.load %arg1[%get3A_254, %get3A_255] : memref<32x8192xf32, #tpu.memory_space<vmem>>, vector<32x128xf32>
    %get3A_257 = arith.constant 0 : index
    %get3A_258 = arith.constant 7936 : index
    %get3A_259 = vector.load %arg1[%get3A_257, %get3A_258] : memref<32x8192xf32, #tpu.memory_space<vmem>>, vector<32x128xf32>
    %get3A_260 = arith.constant 0 : index
    %get3A_261 = arith.constant 8064 : index
    %get3A_262 = vector.load %arg1[%get3A_260, %get3A_261] : memref<32x8192xf32, #tpu.memory_space<vmem>>, vector<32x128xf32>
    %concatenate3A_263 = tpu.concatenate %get3A_253, %get3A_256, %get3A_259, %get3A_262 in 0 : vector<32x128xf32>, vector<32x128xf32>, vector<32x128xf32>, vector<32x128xf32> -> vector<128x128xf32>
    %transpose3A_264 = tpu.transpose %concatenate3A_263, [1, 0] : vector<128x128xf32> -> vector<128x128xf32>
    %swap3A_265 = arith.constant 1920 : index
    %swap3A_266 = arith.constant 0 : index
    %swap3A_267 = vector.load %arg2[%swap3A_265, %swap3A_266] : memref<2048x128xf32, #tpu.memory_space<vmem>>, vector<128x128xf32>
    tpu.vector_store %arg2[%swap3A_265, %swap3A_266], %transpose3A_264 {strides = array<i32>} : memref<2048x128xf32, #tpu.memory_space<vmem>>, vector<128x128xf32>,
    return
  }
  func.func @transform_0(%arg0: i32) -> (i32, i32) {
    %add3A = arith.constant 158 : i32
    %add3A_0 = arith.addi %arg0, %add3A : i32
    %c0_i32 = arith.constant 0 : i32
    %c0_i32_1 = arith.constant 0 : i32
    return %c0_i32, %add3A_0 : i32, i32
  }
  func.func @transform_1(%arg0: i32) -> (i32, i32) {
    %c0_i32 = arith.constant 0 : i32
    %c0_i32_0 = arith.constant 0 : i32
    return %arg0, %c0_i32 : i32, i32
  }
}

module attributes {stable_mosaic.version = 14 : i64} {
  func.func @_tr_body(%arg0: i32, %arg1: memref<32x8192xf32, #tpu.memory_space<vmem>>, %arg2: memref<2048x128xf32, #tpu.memory_space<vmem>>) attributes {dimension_semantics = [#tpu.dimension_semantics<arbitrary>], iteration_bounds = array<i64: 159>, scalar_prefetch = 0 : i64, scratch_operands = 0 : i64, tpu.core_type = #tpu.core_type<tc>, window_params = [{transform_indices = @transform_0, window_bounds = array<i64: 32, 8192>}, {transform_indices = @transform_1, window_bounds = array<i64: 2048, 128>}]} {
    %get3A = arith.constant 0 : index
    %get3A_0 = arith.constant 0 : index
    %get3A_1 = vector.load %arg1[%get3A, %get3A_0] : memref<32x8192xf32, #tpu.memory_space<vmem>>, vector<32x128xf32>
    %get3A_2 = arith.constant 0 : index
    %get3A_3 = arith.constant 128 : index
    %get3A_4 = vector.load %arg1[%get3A_2, %get3A_3] : memref<32x8192xf32, #tpu.memory_space<vmem>>, vector<32x128xf32>
    %get3A_5 = arith.constant 0 : index
    %get3A_6 = arith.constant 256 : index
    %get3A_7 = vector.load %arg1[%get3A_5, %get3A_6] : memref<32x8192xf32, #tpu.memory_space<vmem>>, vector<32x128xf32>
    %get3A_8 = arith.constant 0 : index
    %get3A_9 = arith.constant 384 : index
    %get3A_10 = vector.load %arg1[%get3A_8, %get3A_9] : memref<32x8192xf32, #tpu.memory_space<vmem>>, vector<32x128xf32>
    %concatenate3A = tpu.concatenate %get3A_1, %get3A_4, %get3A_7, %get3A_10 in 0 : vector<32x128xf32>, vector<32x128xf32>, vector<32x128xf32>, vector<32x128xf32> -> vector<128x128xf32>
    %transpose3A = tpu.transpose %concatenate3A, [1, 0] : vector<128x128xf32> -> vector<128x128xf32>
    %swap3A = arith.constant 0 : index
    %swap3A_11 = arith.constant 0 : index
    %swap3A_12 = vector.load %arg2[%swap3A, %swap3A_11] : memref<2048x128xf32, #tpu.memory_space<vmem>>, vector<128x128xf32>
    tpu.vector_store %arg2[%swap3A, %swap3A_11], %transpose3A {strides = array<i32>} : memref<2048x128xf32, #tpu.memory_space<vmem>>, vector<128x128xf32>,
    %get3A_13 = arith.constant 0 : index
    %get3A_14 = arith.constant 512 : index
    %get3A_15 = vector.load %arg1[%get3A_13, %get3A_14] : memref<32x8192xf32, #tpu.memory_space<vmem>>, vector<32x128xf32>
    %get3A_16 = arith.constant 0 : index
    %get3A_17 = arith.constant 640 : index
    %get3A_18 = vector.load %arg1[%get3A_16, %get3A_17] : memref<32x8192xf32, #tpu.memory_space<vmem>>, vector<32x128xf32>
    %get3A_19 = arith.constant 0 : index
    %get3A_20 = arith.constant 768 : index
    %get3A_21 = vector.load %arg1[%get3A_19, %get3A_20] : memref<32x8192xf32, #tpu.memory_space<vmem>>, vector<32x128xf32>
    %get3A_22 = arith.constant 0 : index
    %get3A_23 = arith.constant 896 : index
    %get3A_24 = vector.load %arg1[%get3A_22, %get3A_23] : memref<32x8192xf32, #tpu.memory_space<vmem>>, vector<32x128xf32>
    %concatenate3A_25 = tpu.concatenate %get3A_15, %get3A_18, %get3A_21, %get3A_24 in 0 : vector<32x128xf32>, vector<32x128xf32>, vector<32x128xf32>, vector<32x128xf32> -> vector<128x128xf32>
    %transpose3A_26 = tpu.transpose %concatenate3A_25, [1, 0] : vector<128x128xf32> -> vector<128x128xf32>
    %swap3A_27 = arith.constant 128 : index
    %swap3A_28 = arith.constant 0 : index
    %swap3A_29 = vector.load %arg2[%swap3A_27, %swap3A_28] : memref<2048x128xf32, #tpu.memory_space<vmem>>, vector<128x128xf32>
    tpu.vector_store %arg2[%swap3A_27, %swap3A_28], %transpose3A_26 {strides = array<i32>} : memref<2048x128xf32, #tpu.memory_space<vmem>>, vector<128x128xf32>,
    %get3A_30 = arith.constant 0 : index
    %get3A_31 = arith.constant 1024 : index
    %get3A_32 = vector.load %arg1[%get3A_30, %get3A_31] : memref<32x8192xf32, #tpu.memory_space<vmem>>, vector<32x128xf32>
    %get3A_33 = arith.constant 0 : index
    %get3A_34 = arith.constant 1152 : index
    %get3A_35 = vector.load %arg1[%get3A_33, %get3A_34] : memref<32x8192xf32, #tpu.memory_space<vmem>>, vector<32x128xf32>
    %get3A_36 = arith.constant 0 : index
    %get3A_37 = arith.constant 1280 : index
    %get3A_38 = vector.load %arg1[%get3A_36, %get3A_37] : memref<32x8192xf32, #tpu.memory_space<vmem>>, vector<32x128xf32>
    %get3A_39 = arith.constant 0 : index
    %get3A_40 = arith.constant 1408 : index
    %get3A_41 = vector.load %arg1[%get3A_39, %get3A_40] : memref<32x8192xf32, #tpu.memory_space<vmem>>, vector<32x128xf32>
    %concatenate3A_42 = tpu.concatenate %get3A_32, %get3A_35, %get3A_38, %get3A_41 in 0 : vector<32x128xf32>, vector<32x128xf32>, vector<32x128xf32>, vector<32x128xf32> -> vector<128x128xf32>
    %transpose3A_43 = tpu.transpose %concatenate3A_42, [1, 0] : vector<128x128xf32> -> vector<128x128xf32>
    %swap3A_44 = arith.constant 256 : index
    %swap3A_45 = arith.constant 0 : index
    %swap3A_46 = vector.load %arg2[%swap3A_44, %swap3A_45] : memref<2048x128xf32, #tpu.memory_space<vmem>>, vector<128x128xf32>
    tpu.vector_store %arg2[%swap3A_44, %swap3A_45], %transpose3A_43 {strides = array<i32>} : memref<2048x128xf32, #tpu.memory_space<vmem>>, vector<128x128xf32>,
    %get3A_47 = arith.constant 0 : index
    %get3A_48 = arith.constant 1536 : index
    %get3A_49 = vector.load %arg1[%get3A_47, %get3A_48] : memref<32x8192xf32, #tpu.memory_space<vmem>>, vector<32x128xf32>
    %get3A_50 = arith.constant 0 : index
    %get3A_51 = arith.constant 1664 : index
    %get3A_52 = vector.load %arg1[%get3A_50, %get3A_51] : memref<32x8192xf32, #tpu.memory_space<vmem>>, vector<32x128xf32>
    %get3A_53 = arith.constant 0 : index
    %get3A_54 = arith.constant 1792 : index
    %get3A_55 = vector.load %arg1[%get3A_53, %get3A_54] : memref<32x8192xf32, #tpu.memory_space<vmem>>, vector<32x128xf32>
    %get3A_56 = arith.constant 0 : index
    %get3A_57 = arith.constant 1920 : index
    %get3A_58 = vector.load %arg1[%get3A_56, %get3A_57] : memref<32x8192xf32, #tpu.memory_space<vmem>>, vector<32x128xf32>
    %concatenate3A_59 = tpu.concatenate %get3A_49, %get3A_52, %get3A_55, %get3A_58 in 0 : vector<32x128xf32>, vector<32x128xf32>, vector<32x128xf32>, vector<32x128xf32> -> vector<128x128xf32>
    %transpose3A_60 = tpu.transpose %concatenate3A_59, [1, 0] : vector<128x128xf32> -> vector<128x128xf32>
    %swap3A_61 = arith.constant 384 : index
    %swap3A_62 = arith.constant 0 : index
    %swap3A_63 = vector.load %arg2[%swap3A_61, %swap3A_62] : memref<2048x128xf32, #tpu.memory_space<vmem>>, vector<128x128xf32>
    tpu.vector_store %arg2[%swap3A_61, %swap3A_62], %transpose3A_60 {strides = array<i32>} : memref<2048x128xf32, #tpu.memory_space<vmem>>, vector<128x128xf32>,
    %get3A_64 = arith.constant 0 : index
    %get3A_65 = arith.constant 2048 : index
    %get3A_66 = vector.load %arg1[%get3A_64, %get3A_65] : memref<32x8192xf32, #tpu.memory_space<vmem>>, vector<32x128xf32>
    %get3A_67 = arith.constant 0 : index
    %get3A_68 = arith.constant 2176 : index
    %get3A_69 = vector.load %arg1[%get3A_67, %get3A_68] : memref<32x8192xf32, #tpu.memory_space<vmem>>, vector<32x128xf32>
    %get3A_70 = arith.constant 0 : index
    %get3A_71 = arith.constant 2304 : index
    %get3A_72 = vector.load %arg1[%get3A_70, %get3A_71] : memref<32x8192xf32, #tpu.memory_space<vmem>>, vector<32x128xf32>
    %get3A_73 = arith.constant 0 : index
    %get3A_74 = arith.constant 2432 : index
    %get3A_75 = vector.load %arg1[%get3A_73, %get3A_74] : memref<32x8192xf32, #tpu.memory_space<vmem>>, vector<32x128xf32>
    %concatenate3A_76 = tpu.concatenate %get3A_66, %get3A_69, %get3A_72, %get3A_75 in 0 : vector<32x128xf32>, vector<32x128xf32>, vector<32x128xf32>, vector<32x128xf32> -> vector<128x128xf32>
    %transpose3A_77 = tpu.transpose %concatenate3A_76, [1, 0] : vector<128x128xf32> -> vector<128x128xf32>
    %swap3A_78 = arith.constant 512 : index
    %swap3A_79 = arith.constant 0 : index
    %swap3A_80 = vector.load %arg2[%swap3A_78, %swap3A_79] : memref<2048x128xf32, #tpu.memory_space<vmem>>, vector<128x128xf32>
    tpu.vector_store %arg2[%swap3A_78, %swap3A_79], %transpose3A_77 {strides = array<i32>} : memref<2048x128xf32, #tpu.memory_space<vmem>>, vector<128x128xf32>,
    %get3A_81 = arith.constant 0 : index
    %get3A_82 = arith.constant 2560 : index
    %get3A_83 = vector.load %arg1[%get3A_81, %get3A_82] : memref<32x8192xf32, #tpu.memory_space<vmem>>, vector<32x128xf32>
    %get3A_84 = arith.constant 0 : index
    %get3A_85 = arith.constant 2688 : index
    %get3A_86 = vector.load %arg1[%get3A_84, %get3A_85] : memref<32x8192xf32, #tpu.memory_space<vmem>>, vector<32x128xf32>
    %get3A_87 = arith.constant 0 : index
    %get3A_88 = arith.constant 2816 : index
    %get3A_89 = vector.load %arg1[%get3A_87, %get3A_88] : memref<32x8192xf32, #tpu.memory_space<vmem>>, vector<32x128xf32>
    %get3A_90 = arith.constant 0 : index
    %get3A_91 = arith.constant 2944 : index
    %get3A_92 = vector.load %arg1[%get3A_90, %get3A_91] : memref<32x8192xf32, #tpu.memory_space<vmem>>, vector<32x128xf32>
    %concatenate3A_93 = tpu.concatenate %get3A_83, %get3A_86, %get3A_89, %get3A_92 in 0 : vector<32x128xf32>, vector<32x128xf32>, vector<32x128xf32>, vector<32x128xf32> -> vector<128x128xf32>
    %transpose3A_94 = tpu.transpose %concatenate3A_93, [1, 0] : vector<128x128xf32> -> vector<128x128xf32>
    %swap3A_95 = arith.constant 640 : index
    %swap3A_96 = arith.constant 0 : index
    %swap3A_97 = vector.load %arg2[%swap3A_95, %swap3A_96] : memref<2048x128xf32, #tpu.memory_space<vmem>>, vector<128x128xf32>
    tpu.vector_store %arg2[%swap3A_95, %swap3A_96], %transpose3A_94 {strides = array<i32>} : memref<2048x128xf32, #tpu.memory_space<vmem>>, vector<128x128xf32>,
    %get3A_98 = arith.constant 0 : index
    %get3A_99 = arith.constant 3072 : index
    %get3A_100 = vector.load %arg1[%get3A_98, %get3A_99] : memref<32x8192xf32, #tpu.memory_space<vmem>>, vector<32x128xf32>
    %get3A_101 = arith.constant 0 : index
    %get3A_102 = arith.constant 3200 : index
    %get3A_103 = vector.load %arg1[%get3A_101, %get3A_102] : memref<32x8192xf32, #tpu.memory_space<vmem>>, vector<32x128xf32>
    %get3A_104 = arith.constant 0 : index
    %get3A_105 = arith.constant 3328 : index
    %get3A_106 = vector.load %arg1[%get3A_104, %get3A_105] : memref<32x8192xf32, #tpu.memory_space<vmem>>, vector<32x128xf32>
    %get3A_107 = arith.constant 0 : index
    %get3A_108 = arith.constant 3456 : index
    %get3A_109 = vector.load %arg1[%get3A_107, %get3A_108] : memref<32x8192xf32, #tpu.memory_space<vmem>>, vector<32x128xf32>
    %concatenate3A_110 = tpu.concatenate %get3A_100, %get3A_103, %get3A_106, %get3A_109 in 0 : vector<32x128xf32>, vector<32x128xf32>, vector<32x128xf32>, vector<32x128xf32> -> vector<128x128xf32>
    %transpose3A_111 = tpu.transpose %concatenate3A_110, [1, 0] : vector<128x128xf32> -> vector<128x128xf32>
    %swap3A_112 = arith.constant 768 : index
    %swap3A_113 = arith.constant 0 : index
    %swap3A_114 = vector.load %arg2[%swap3A_112, %swap3A_113] : memref<2048x128xf32, #tpu.memory_space<vmem>>, vector<128x128xf32>
    tpu.vector_store %arg2[%swap3A_112, %swap3A_113], %transpose3A_111 {strides = array<i32>} : memref<2048x128xf32, #tpu.memory_space<vmem>>, vector<128x128xf32>,
    %get3A_115 = arith.constant 0 : index
    %get3A_116 = arith.constant 3584 : index
    %get3A_117 = vector.load %arg1[%get3A_115, %get3A_116] : memref<32x8192xf32, #tpu.memory_space<vmem>>, vector<32x128xf32>
    %get3A_118 = arith.constant 0 : index
    %get3A_119 = arith.constant 3712 : index
    %get3A_120 = vector.load %arg1[%get3A_118, %get3A_119] : memref<32x8192xf32, #tpu.memory_space<vmem>>, vector<32x128xf32>
    %get3A_121 = arith.constant 0 : index
    %get3A_122 = arith.constant 3840 : index
    %get3A_123 = vector.load %arg1[%get3A_121, %get3A_122] : memref<32x8192xf32, #tpu.memory_space<vmem>>, vector<32x128xf32>
    %get3A_124 = arith.constant 0 : index
    %get3A_125 = arith.constant 3968 : index
    %get3A_126 = vector.load %arg1[%get3A_124, %get3A_125] : memref<32x8192xf32, #tpu.memory_space<vmem>>, vector<32x128xf32>
    %concatenate3A_127 = tpu.concatenate %get3A_117, %get3A_120, %get3A_123, %get3A_126 in 0 : vector<32x128xf32>, vector<32x128xf32>, vector<32x128xf32>, vector<32x128xf32> -> vector<128x128xf32>
    %transpose3A_128 = tpu.transpose %concatenate3A_127, [1, 0] : vector<128x128xf32> -> vector<128x128xf32>
    %swap3A_129 = arith.constant 896 : index
    %swap3A_130 = arith.constant 0 : index
    %swap3A_131 = vector.load %arg2[%swap3A_129, %swap3A_130] : memref<2048x128xf32, #tpu.memory_space<vmem>>, vector<128x128xf32>
    tpu.vector_store %arg2[%swap3A_129, %swap3A_130], %transpose3A_128 {strides = array<i32>} : memref<2048x128xf32, #tpu.memory_space<vmem>>, vector<128x128xf32>,
    %get3A_132 = arith.constant 0 : index
    %get3A_133 = arith.constant 4096 : index
    %get3A_134 = vector.load %arg1[%get3A_132, %get3A_133] : memref<32x8192xf32, #tpu.memory_space<vmem>>, vector<32x128xf32>
    %get3A_135 = arith.constant 0 : index
    %get3A_136 = arith.constant 4224 : index
    %get3A_137 = vector.load %arg1[%get3A_135, %get3A_136] : memref<32x8192xf32, #tpu.memory_space<vmem>>, vector<32x128xf32>
    %get3A_138 = arith.constant 0 : index
    %get3A_139 = arith.constant 4352 : index
    %get3A_140 = vector.load %arg1[%get3A_138, %get3A_139] : memref<32x8192xf32, #tpu.memory_space<vmem>>, vector<32x128xf32>
    %get3A_141 = arith.constant 0 : index
    %get3A_142 = arith.constant 4480 : index
    %get3A_143 = vector.load %arg1[%get3A_141, %get3A_142] : memref<32x8192xf32, #tpu.memory_space<vmem>>, vector<32x128xf32>
    %concatenate3A_144 = tpu.concatenate %get3A_134, %get3A_137, %get3A_140, %get3A_143 in 0 : vector<32x128xf32>, vector<32x128xf32>, vector<32x128xf32>, vector<32x128xf32> -> vector<128x128xf32>
    %transpose3A_145 = tpu.transpose %concatenate3A_144, [1, 0] : vector<128x128xf32> -> vector<128x128xf32>
    %swap3A_146 = arith.constant 1024 : index
    %swap3A_147 = arith.constant 0 : index
    %swap3A_148 = vector.load %arg2[%swap3A_146, %swap3A_147] : memref<2048x128xf32, #tpu.memory_space<vmem>>, vector<128x128xf32>
    tpu.vector_store %arg2[%swap3A_146, %swap3A_147], %transpose3A_145 {strides = array<i32>} : memref<2048x128xf32, #tpu.memory_space<vmem>>, vector<128x128xf32>,
    %get3A_149 = arith.constant 0 : index
    %get3A_150 = arith.constant 4608 : index
    %get3A_151 = vector.load %arg1[%get3A_149, %get3A_150] : memref<32x8192xf32, #tpu.memory_space<vmem>>, vector<32x128xf32>
    %get3A_152 = arith.constant 0 : index
    %get3A_153 = arith.constant 4736 : index
    %get3A_154 = vector.load %arg1[%get3A_152, %get3A_153] : memref<32x8192xf32, #tpu.memory_space<vmem>>, vector<32x128xf32>
    %get3A_155 = arith.constant 0 : index
    %get3A_156 = arith.constant 4864 : index
    %get3A_157 = vector.load %arg1[%get3A_155, %get3A_156] : memref<32x8192xf32, #tpu.memory_space<vmem>>, vector<32x128xf32>
    %get3A_158 = arith.constant 0 : index
    %get3A_159 = arith.constant 4992 : index
    %get3A_160 = vector.load %arg1[%get3A_158, %get3A_159] : memref<32x8192xf32, #tpu.memory_space<vmem>>, vector<32x128xf32>
    %concatenate3A_161 = tpu.concatenate %get3A_151, %get3A_154, %get3A_157, %get3A_160 in 0 : vector<32x128xf32>, vector<32x128xf32>, vector<32x128xf32>, vector<32x128xf32> -> vector<128x128xf32>
    %transpose3A_162 = tpu.transpose %concatenate3A_161, [1, 0] : vector<128x128xf32> -> vector<128x128xf32>
    %swap3A_163 = arith.constant 1152 : index
    %swap3A_164 = arith.constant 0 : index
    %swap3A_165 = vector.load %arg2[%swap3A_163, %swap3A_164] : memref<2048x128xf32, #tpu.memory_space<vmem>>, vector<128x128xf32>
    tpu.vector_store %arg2[%swap3A_163, %swap3A_164], %transpose3A_162 {strides = array<i32>} : memref<2048x128xf32, #tpu.memory_space<vmem>>, vector<128x128xf32>,
    %get3A_166 = arith.constant 0 : index
    %get3A_167 = arith.constant 5120 : index
    %get3A_168 = vector.load %arg1[%get3A_166, %get3A_167] : memref<32x8192xf32, #tpu.memory_space<vmem>>, vector<32x128xf32>
    %get3A_169 = arith.constant 0 : index
    %get3A_170 = arith.constant 5248 : index
    %get3A_171 = vector.load %arg1[%get3A_169, %get3A_170] : memref<32x8192xf32, #tpu.memory_space<vmem>>, vector<32x128xf32>
    %get3A_172 = arith.constant 0 : index
    %get3A_173 = arith.constant 5376 : index
    %get3A_174 = vector.load %arg1[%get3A_172, %get3A_173] : memref<32x8192xf32, #tpu.memory_space<vmem>>, vector<32x128xf32>
    %get3A_175 = arith.constant 0 : index
    %get3A_176 = arith.constant 5504 : index
    %get3A_177 = vector.load %arg1[%get3A_175, %get3A_176] : memref<32x8192xf32, #tpu.memory_space<vmem>>, vector<32x128xf32>
    %concatenate3A_178 = tpu.concatenate %get3A_168, %get3A_171, %get3A_174, %get3A_177 in 0 : vector<32x128xf32>, vector<32x128xf32>, vector<32x128xf32>, vector<32x128xf32> -> vector<128x128xf32>
    %transpose3A_179 = tpu.transpose %concatenate3A_178, [1, 0] : vector<128x128xf32> -> vector<128x128xf32>
    %swap3A_180 = arith.constant 1280 : index
    %swap3A_181 = arith.constant 0 : index
    %swap3A_182 = vector.load %arg2[%swap3A_180, %swap3A_181] : memref<2048x128xf32, #tpu.memory_space<vmem>>, vector<128x128xf32>
    tpu.vector_store %arg2[%swap3A_180, %swap3A_181], %transpose3A_179 {strides = array<i32>} : memref<2048x128xf32, #tpu.memory_space<vmem>>, vector<128x128xf32>,
    %get3A_183 = arith.constant 0 : index
    %get3A_184 = arith.constant 5632 : index
    %get3A_185 = vector.load %arg1[%get3A_183, %get3A_184] : memref<32x8192xf32, #tpu.memory_space<vmem>>, vector<32x128xf32>
    %get3A_186 = arith.constant 0 : index
    %get3A_187 = arith.constant 5760 : index
    %get3A_188 = vector.load %arg1[%get3A_186, %get3A_187] : memref<32x8192xf32, #tpu.memory_space<vmem>>, vector<32x128xf32>
    %get3A_189 = arith.constant 0 : index
    %get3A_190 = arith.constant 5888 : index
    %get3A_191 = vector.load %arg1[%get3A_189, %get3A_190] : memref<32x8192xf32, #tpu.memory_space<vmem>>, vector<32x128xf32>
    %get3A_192 = arith.constant 0 : index
    %get3A_193 = arith.constant 6016 : index
    %get3A_194 = vector.load %arg1[%get3A_192, %get3A_193] : memref<32x8192xf32, #tpu.memory_space<vmem>>, vector<32x128xf32>
    %concatenate3A_195 = tpu.concatenate %get3A_185, %get3A_188, %get3A_191, %get3A_194 in 0 : vector<32x128xf32>, vector<32x128xf32>, vector<32x128xf32>, vector<32x128xf32> -> vector<128x128xf32>
    %transpose3A_196 = tpu.transpose %concatenate3A_195, [1, 0] : vector<128x128xf32> -> vector<128x128xf32>
    %swap3A_197 = arith.constant 1408 : index
    %swap3A_198 = arith.constant 0 : index
    %swap3A_199 = vector.load %arg2[%swap3A_197, %swap3A_198] : memref<2048x128xf32, #tpu.memory_space<vmem>>, vector<128x128xf32>
    tpu.vector_store %arg2[%swap3A_197, %swap3A_198], %transpose3A_196 {strides = array<i32>} : memref<2048x128xf32, #tpu.memory_space<vmem>>, vector<128x128xf32>,
    %get3A_200 = arith.constant 0 : index
    %get3A_201 = arith.constant 6144 : index
    %get3A_202 = vector.load %arg1[%get3A_200, %get3A_201] : memref<32x8192xf32, #tpu.memory_space<vmem>>, vector<32x128xf32>
    %get3A_203 = arith.constant 0 : index
    %get3A_204 = arith.constant 6272 : index
    %get3A_205 = vector.load %arg1[%get3A_203, %get3A_204] : memref<32x8192xf32, #tpu.memory_space<vmem>>, vector<32x128xf32>
    %get3A_206 = arith.constant 0 : index
    %get3A_207 = arith.constant 6400 : index
    %get3A_208 = vector.load %arg1[%get3A_206, %get3A_207] : memref<32x8192xf32, #tpu.memory_space<vmem>>, vector<32x128xf32>
    %get3A_209 = arith.constant 0 : index
    %get3A_210 = arith.constant 6528 : index
    %get3A_211 = vector.load %arg1[%get3A_209, %get3A_210] : memref<32x8192xf32, #tpu.memory_space<vmem>>, vector<32x128xf32>
    %concatenate3A_212 = tpu.concatenate %get3A_202, %get3A_205, %get3A_208, %get3A_211 in 0 : vector<32x128xf32>, vector<32x128xf32>, vector<32x128xf32>, vector<32x128xf32> -> vector<128x128xf32>
    %transpose3A_213 = tpu.transpose %concatenate3A_212, [1, 0] : vector<128x128xf32> -> vector<128x128xf32>
    %swap3A_214 = arith.constant 1536 : index
    %swap3A_215 = arith.constant 0 : index
    %swap3A_216 = vector.load %arg2[%swap3A_214, %swap3A_215] : memref<2048x128xf32, #tpu.memory_space<vmem>>, vector<128x128xf32>
    tpu.vector_store %arg2[%swap3A_214, %swap3A_215], %transpose3A_213 {strides = array<i32>} : memref<2048x128xf32, #tpu.memory_space<vmem>>, vector<128x128xf32>,
    %get3A_217 = arith.constant 0 : index
    %get3A_218 = arith.constant 6656 : index
    %get3A_219 = vector.load %arg1[%get3A_217, %get3A_218] : memref<32x8192xf32, #tpu.memory_space<vmem>>, vector<32x128xf32>
    %get3A_220 = arith.constant 0 : index
    %get3A_221 = arith.constant 6784 : index
    %get3A_222 = vector.load %arg1[%get3A_220, %get3A_221] : memref<32x8192xf32, #tpu.memory_space<vmem>>, vector<32x128xf32>
    %get3A_223 = arith.constant 0 : index
    %get3A_224 = arith.constant 6912 : index
    %get3A_225 = vector.load %arg1[%get3A_223, %get3A_224] : memref<32x8192xf32, #tpu.memory_space<vmem>>, vector<32x128xf32>
    %get3A_226 = arith.constant 0 : index
    %get3A_227 = arith.constant 7040 : index
    %get3A_228 = vector.load %arg1[%get3A_226, %get3A_227] : memref<32x8192xf32, #tpu.memory_space<vmem>>, vector<32x128xf32>
    %concatenate3A_229 = tpu.concatenate %get3A_219, %get3A_222, %get3A_225, %get3A_228 in 0 : vector<32x128xf32>, vector<32x128xf32>, vector<32x128xf32>, vector<32x128xf32> -> vector<128x128xf32>
    %transpose3A_230 = tpu.transpose %concatenate3A_229, [1, 0] : vector<128x128xf32> -> vector<128x128xf32>
    %swap3A_231 = arith.constant 1664 : index
    %swap3A_232 = arith.constant 0 : index
    %swap3A_233 = vector.load %arg2[%swap3A_231, %swap3A_232] : memref<2048x128xf32, #tpu.memory_space<vmem>>, vector<128x128xf32>
    tpu.vector_store %arg2[%swap3A_231, %swap3A_232], %transpose3A_230 {strides = array<i32>} : memref<2048x128xf32, #tpu.memory_space<vmem>>, vector<128x128xf32>,
    %get3A_234 = arith.constant 0 : index
    %get3A_235 = arith.constant 7168 : index
    %get3A_236 = vector.load %arg1[%get3A_234, %get3A_235] : memref<32x8192xf32, #tpu.memory_space<vmem>>, vector<32x128xf32>
    %get3A_237 = arith.constant 0 : index
    %get3A_238 = arith.constant 7296 : index
    %get3A_239 = vector.load %arg1[%get3A_237, %get3A_238] : memref<32x8192xf32, #tpu.memory_space<vmem>>, vector<32x128xf32>
    %get3A_240 = arith.constant 0 : index
    %get3A_241 = arith.constant 7424 : index
    %get3A_242 = vector.load %arg1[%get3A_240, %get3A_241] : memref<32x8192xf32, #tpu.memory_space<vmem>>, vector<32x128xf32>
    %get3A_243 = arith.constant 0 : index
    %get3A_244 = arith.constant 7552 : index
    %get3A_245 = vector.load %arg1[%get3A_243, %get3A_244] : memref<32x8192xf32, #tpu.memory_space<vmem>>, vector<32x128xf32>
    %concatenate3A_246 = tpu.concatenate %get3A_236, %get3A_239, %get3A_242, %get3A_245 in 0 : vector<32x128xf32>, vector<32x128xf32>, vector<32x128xf32>, vector<32x128xf32> -> vector<128x128xf32>
    %transpose3A_247 = tpu.transpose %concatenate3A_246, [1, 0] : vector<128x128xf32> -> vector<128x128xf32>
    %swap3A_248 = arith.constant 1792 : index
    %swap3A_249 = arith.constant 0 : index
    %swap3A_250 = vector.load %arg2[%swap3A_248, %swap3A_249] : memref<2048x128xf32, #tpu.memory_space<vmem>>, vector<128x128xf32>
    tpu.vector_store %arg2[%swap3A_248, %swap3A_249], %transpose3A_247 {strides = array<i32>} : memref<2048x128xf32, #tpu.memory_space<vmem>>, vector<128x128xf32>,
    %get3A_251 = arith.constant 0 : index
    %get3A_252 = arith.constant 7680 : index
    %get3A_253 = vector.load %arg1[%get3A_251, %get3A_252] : memref<32x8192xf32, #tpu.memory_space<vmem>>, vector<32x128xf32>
    %get3A_254 = arith.constant 0 : index
    %get3A_255 = arith.constant 7808 : index
    %get3A_256 = vector.load %arg1[%get3A_254, %get3A_255] : memref<32x8192xf32, #tpu.memory_space<vmem>>, vector<32x128xf32>
    %get3A_257 = arith.constant 0 : index
    %get3A_258 = arith.constant 7936 : index
    %get3A_259 = vector.load %arg1[%get3A_257, %get3A_258] : memref<32x8192xf32, #tpu.memory_space<vmem>>, vector<32x128xf32>
    %get3A_260 = arith.constant 0 : index
    %get3A_261 = arith.constant 8064 : index
    %get3A_262 = vector.load %arg1[%get3A_260, %get3A_261] : memref<32x8192xf32, #tpu.memory_space<vmem>>, vector<32x128xf32>
    %concatenate3A_263 = tpu.concatenate %get3A_253, %get3A_256, %get3A_259, %get3A_262 in 0 : vector<32x128xf32>, vector<32x128xf32>, vector<32x128xf32>, vector<32x128xf32> -> vector<128x128xf32>
    %transpose3A_264 = tpu.transpose %concatenate3A_263, [1, 0] : vector<128x128xf32> -> vector<128x128xf32>
    %swap3A_265 = arith.constant 1920 : index
    %swap3A_266 = arith.constant 0 : index
    %swap3A_267 = vector.load %arg2[%swap3A_265, %swap3A_266] : memref<2048x128xf32, #tpu.memory_space<vmem>>, vector<128x128xf32>
    tpu.vector_store %arg2[%swap3A_265, %swap3A_266], %transpose3A_264 {strides = array<i32>} : memref<2048x128xf32, #tpu.memory_space<vmem>>, vector<128x128xf32>,
    return
  }
  func.func @transform_0(%arg0: i32) -> (i32, i32) {
    %add3A = arith.constant 0 : i32
    %add3A_0 = arith.addi %arg0, %add3A : i32
    %c0_i32 = arith.constant 0 : i32
    %c0_i32_1 = arith.constant 0 : i32
    return %c0_i32, %add3A_0 : i32, i32
  }
  func.func @transform_1(%arg0: i32) -> (i32, i32) {
    %c0_i32 = arith.constant 0 : i32
    %c0_i32_0 = arith.constant 0 : i32
    return %arg0, %c0_i32 : i32, i32
  }
}

</mosaic_0001>

<sc_bundles>
// kernel: kernel.6.cloned.1.call-start
scs
__scs_entry_jumppad:
0x0: {  	(pc) =	sbr.rel $0x88, $3  }
0x1: {  	(tag) =	ssettag $0x0;
	lr =	simm.s32 $0x1  }
0x2: {  	[smem:$0x3F9F] =	sst lr;
	_ =	strace $0xD0000000  }
0x3: {  	_ = 	snop  }
0x4: {  	_ = 	snop  }
0x5: {  	_ = 	snop  }
0x6: {  	_ = 	snop  }
0x7: {  	_ = 	snop  }
__scs_overlays_trampoline_lowered:
0x8: {  	[smem:$0x3FAE] =	sst s0  }
0x9: {  	[smem:$0x3FAF] =	sst s1  }
0xa: {  	[smem:$0x3FB0] =	sst s2  }
0xb: {  	[smem:$0x3FB1] =	sst s3  }
0xc: {  	[smem:$0x3FB2] =	sst s4  }
0xd: {  	[smem:$0x3FB3] =	sst s5  }
0xe: {  	[smem:$0x3FB4] =	sst s6  }
0xf: {  	[smem:$0x3FB5] =	sst s7  }
0x10: {  	[smem:$0x3FB6] =	sst s8  }
0x11: {  	[smem:$0x3FB7] =	sst s9;
	s0 =	simm.s32 @!p0 $0x0  }
0x12: {  	s1 =	sld [smem:$0x3F9D];
	s0 =	simm.s32 @p0 $0x1  }
0x13: {  	[smem:$0x3FB8] =	sst s0;
	s0 =	simm.s32 @!p1 $0x0  }
0x14: {  	s2 =	sld [smem:$0x3F9C];
	s0 =	simm.s32 @p1 $0x1  }
0x15: {  	[smem:$0x3FB9] =	sst s0;
	s0 =	simm.s32 @!p2 $0x0  }
0x16: {  	s3 =	sld [smem:$0x3FDB];
	s0 =	simm.s32 @p2 $0x1  }
0x17: {  	s4 =	simm.s32 $0x1BF5;
	[smem:$0x3FBB] =	sst s0  }
0x18: {  	s0 =	sld [smem:$0x3F9E];
	_ =	swait.ge [sflag:s4], $0x0  }
0x19: {  	s7 =	sld [smem:$0x3F9F]  }
0x1a: {  	s8 =	sadd.s32 $0xFFFFE003, lr  }
0x1b: {  	s9 =	sadd.s32 $0xFFFFFEF7, lr;
	s5 =	simm.s32 $0xFFFFFFFF;
	p2 =	slt.u32 s8, $0xFFFFF086  }
0x1c: {  	p1 =	slt.u32 s9, $0xF7A;
	s5 =	simm.s32 @!p2 $0x0  }
0x1d: {  	s5 =	simm.s32 @p1 $0x1;
	p0 =	seq.s32 s7, s2  }
0x1e: {  	s7 =	smul.u32 @!p0 $0xF7A, s2;
	p2 =	seq.s32 @!p0 s5, $0x0  }
0x1f: {  	s9 =	smul.u32 $0xF7A, s1;
	s8 =	simm.s32 @!p0 $0x1BF5;
	p2 =	por !p2, p0  }
0x20: {  	[sflag:s8] =	ssyncset.s32 @!p0 $0xFFFFF086;
	s6 =	sadd.s32 @!p0 s3, s7;
	s7 =	simm.s32 @!p0 $0x108  }
0x21: {  	s3 =	sadd.s32 s3, s9;
	s6 =	sadd.s32 @!p0 $0x88, s6;
	s7 =	simm.s32 @p2 $0x1082  }
0x22: {  	[simem:s7], [sflag:s8] =	dma.local @!p0 [hbm:s6], $0xF7A  }
0x23: {  	s9 =	sor.u32 $0xD0000000, s2;
	s6 =	simm.s32 $0x108;
	_ =	swait.ge @!p0 [sflag:s8], $0x0  }
0x24: {  	s3 =	sadd.s32 $0x88, s3;
	s6 =	simm.s32 @!p1 $0x1082;
	[sflag:s4] =	ssyncset.s32 $0xFFFFF086  }
0x25: {  	[simem:s6], [sflag:s4] =	dma.local [hbm:s3], $0xF7A  }
0x26: {  	[smem:$0x3F9F] =	sst s1;
	(tag) =	ssettag s2;
	_ =	strace s9  }
0x27: {  	s1 =	sld [smem:$0x3FAF]  }
0x28: {  	s2 =	sld [smem:$0x3FB0]  }
0x29: {  	s4 =	sld [smem:$0x3FB2]  }
0x2a: {  	p0 =	seq.s32 s5, $0x0;
	s5 =	sld [smem:$0x3FB3]  }
0x2b: {  	s6 =	sld [smem:$0x3FB4]  }
0x2c: {  	s7 =	sld [smem:$0x3FB5]  }
0x2d: {  	s3 =	simm.s32 $0x108;
	s8 =	sld [smem:$0x3FB6]  }
0x2e: {  	s3 =	simm.s32 @!p0 $0x1082;
	s9 =	sld [smem:$0x3FB7]  }
0x2f: {  	lr =	sadd.s32 s0, s3;
	s0 =	sld [smem:$0x3FAE]  }
0x30: {  	s3 =	sld [smem:$0x3FB1]  }
0x31: {  	[smem:$0x3FBA] =	sst s10  }
0x32: {  	s10 =	sld [smem:$0x3FB8];
	_ =	sdelay $0x3  }
0x33: {  	p0 =	seq.s32 s10, $0x1;
	s10 =	sld [smem:$0x3FBA];
	_ =	sdelay $0x3  }
0x34: {  	[smem:$0x3FBA] =	sst s10  }
0x35: {  	s10 =	sld [smem:$0x3FB9];
	_ =	sdelay $0x3  }
0x36: {  	p1 =	seq.s32 s10, $0x1;
	s10 =	sld [smem:$0x3FBA];
	_ =	sdelay $0x3  }
0x37: {  	[smem:$0x3FBA] =	sst s10  }
0x38: {  	s10 =	sld [smem:$0x3FBB]  }
0x39: {  	_ = 	snop;
	(pc) =	sbr.ind lr, $3  }
0x3a: {  	_ = 	snop  }
0x3b: {  	_ = 	snop  }
0x3c: {  	p2 =	seq.s32 s10, $0x1;
	s10 =	sld [smem:$0x3FBA]  }
0x3d: {  	_ =	shalt  }
0x3e: {  	_ =	shalt  }
0x3f: {  	_ =	shalt  }
0x40: {  	_ =	shalt  }
0x41: {  	_ =	shalt  }
0x42: {  	_ =	shalt  }
0x43: {  	_ =	shalt  }
0x44: {  	_ =	shalt  }
0x45: {  	_ =	shalt  }
0x46: {  	_ =	shalt  }
0x47: {  	_ =	shalt  }
0x48: {  	_ =	shalt  }
0x49: {  	_ =	shalt  }
0x4a: {  	_ =	shalt  }
0x4b: {  	_ =	shalt  }
0x4c: {  	_ =	shalt  }
0x4d: {  	_ =	shalt  }
0x4e: {  	_ =	shalt  }
0x4f: {  	_ =	shalt  }
0x50: {  	_ =	shalt  }
0x51: {  	_ =	shalt  }
0x52: {  	_ =	shalt  }
0x53: {  	_ =	shalt  }
0x54: {  	_ =	shalt  }
0x55: {  	_ =	shalt  }
0x56: {  	_ =	shalt  }
0x57: {  	_ =	shalt  }
0x58: {  	_ =	shalt  }
0x59: {  	_ =	shalt  }
0x5a: {  	_ =	shalt  }
0x5b: {  	_ =	shalt  }
0x5c: {  	_ =	shalt  }
0x5d: {  	_ =	shalt  }
0x5e: {  	_ =	shalt  }
0x5f: {  	_ =	shalt  }
0x60: {  	_ =	shalt  }
0x61: {  	_ =	shalt  }
0x62: {  	_ =	shalt  }
0x63: {  	_ =	shalt  }
0x64: {  	_ =	shalt  }
0x65: {  	_ =	shalt  }
0x66: {  	_ =	shalt  }
0x67: {  	_ =	shalt  }
0x68: {  	_ =	shalt  }
0x69: {  	_ =	shalt  }
0x6a: {  	_ =	shalt  }
0x6b: {  	_ =	shalt  }
0x6c: {  	_ =	shalt  }
0x6d: {  	_ =	shalt  }
0x6e: {  	_ =	shalt  }
0x6f: {  	_ =	shalt  }
0x70: {  	_ =	shalt  }
0x71: {  	_ =	shalt  }
0x72: {  	_ =	shalt  }
0x73: {  	_ =	shalt  }
0x74: {  	_ =	shalt  }
0x75: {  	_ =	shalt  }
0x76: {  	_ =	shalt  }
0x77: {  	_ =	shalt  }
0x78: {  	_ =	shalt  }
0x79: {  	_ =	shalt  }
0x7a: {  	_ =	shalt  }
0x7b: {  	_ =	shalt  }
0x7c: {  	_ =	shalt  }
0x7d: {  	_ =	shalt  }
0x7e: {  	_ =	shalt  }
0x7f: {  	_ =	shalt  }
0x80: {  	_ =	shalt  }
0x81: {  	_ =	shalt  }
0x82: {  	_ =	shalt  }
0x83: {  	_ =	shalt  }
0x84: {  	_ =	shalt  }
0x85: {  	_ =	shalt  }
0x86: {  	_ =	shalt  }
0x87: {  	_ =	shalt  }
.Lfunc_end0:
.L_simem_size_0:
called_computation.1_lowered:
.L_overlay_start_0:
0x88: {  	s2 =	sld [smem:$0x3FD9]  }
0x89: {  	s3 =	sld [smem:$0x3FFE];
	_ =	sdelay $0x1  }
0x8a: {  	s1 =	srdreg.scid  }
0x8b: {  	s0 =	sand.u32 $0x1, s1  }
0x8c: {  	s17 =	sshll.u32 s0, $0xA;
	s2 =	sadd.s32 s3, s2  }
0x8d: {  	s2 =	sadd.s32 s2, s17  }
0x8e: {  	[smem:$0x3FC6] =	sst s2  }
0x8f: {  	_ = 	snop  }
0x90: {  	(tm) =	ssettm $0x1  }
0x91: {  	s18 =	sld [smem:$0x3FFB];
	_ =	sdelay $0x3  }
0x92: {  	_ =	strace s18  }
0x93: {  	s2 =	sld [smem:$0x3FFC];
	_ =	sdelay $0x3  }
0x94: {  	_ =	strace s2  }
0x95: {  	s2 =	sld [smem:$0x3FFD];
	_ =	sdelay $0x3  }
0x96: {  	_ =	strace s2  }
0x97: {  	_ =	strace $0x8FFFFFFF  }
0x98: {  	s19 =	sld [smem:$0x3FDB];
	_ =	sdelay $0x1  }
0x99: {  	s20 =	simm.s32 $_scs_section_size  }
0x9a: {  	s4 =	simm.s32 $_size__tile_overlayer_lowered;
	s5 =	simm.s32 $_tile_overlayer_lowered  }
0x9b: {  	s6 =	simm.s32 $0x1BFF;
	s21 =	sshll.u32 s5, $0x1;
	s3 =	sadd.s32 s20, s19  }
0x9c: {  	s22 =	simm.s32 $0x0;
	s4 =	sshll.u32 s4, $0x1;
	s5 =	sadd.s32 s21, s3  }
0x9d: {  	[timem:s22], [sflag:s6] =	dma.local [hbm:s5], s4  }
0x9e: {  	_ =	swait.ge [sflag:s6], s4  }
0x9f: {  	s4 =	ssub.s32 $0x0, s4;
	[sflag:s6] =	ssyncset.done $0x0  }
0xa0: {  	[sflag:s6] =	ssyncadd.s32 s4;
	_ =	sdelay $0x1  }
0xa1: {  	s23 =	simm.s32 $0x1B8B  }
0xa2: {  	_ =	swait.ge [sflag:s23], $0x1  }
0xa3: {  	[sflag:s23] =	ssyncset.done $0x0  }
0xa4: {  	[sflag:s23] =	ssyncadd.s32 $0xFFFFFFFF  }
0xa5: {  	s4 =	sld [smem:$0x0]  }
0xa6: {  	s5 =	sand.u32 $0xFFFFFFFE, s1  }
0xa7: {  	p0 =	sne.s32 s1, s5  }
0xa8: {  	s5 =	sshll.u32 @p0 s5, $0xE  }
0xa9: {  	s5 =	sadd.s32 @p0 $0x11B8D, s5;
	s6 =	sshll.u32 @p0 s4, $0x11  }
0xaa: {  	s5 =	sor.u32 @p0 s6, s5  }
0xab: {  	[sflag:s5] =	ssyncadd.remote.s32 @p0 $0x1;
	_ =	sdelay $0x1  }
0xac: {  	s5 =	simm.s32 @p0 $0x1B8D  }
0xad: {  	_ =	swait.eq @p0 [sflag:s5], $0x1  }
0xae: {  	[sflag:s5] =	ssyncadd.s32 @p0 $0xFFFFFFFF  }
0xaf: {  	s6 =	sshll.u32 @!p0 s1, $0xE  }
0xb0: {  	s6 =	sor.u32 @!p0 $0x4000, s6;
	s5 =	simm.s32 @!p0 $0x1B8D  }
0xb1: {  	s4 =	sshll.u32 @!p0 s4, $0x11;
	s6 =	sadd.s32 @!p0 $0x11B8D, s6;
	_ =	swait.eq @!p0 [sflag:s5], $0x1  }
0xb2: {  	s4 =	sor.u32 @!p0 s4, s6;
	[sflag:s5] =	ssyncadd.s32 @!p0 $0xFFFFFFFF  }
0xb3: {  	s25 =	simm.s32 $0x1B8E;
	s24 =	sld [smem:$0x3FFE];
	[sflag:s4] =	ssyncadd.remote.s32 @!p0 $0x1  }
0xb4: {  	s26 =	simm.s32 $execute0_lowered;
	[smem:$0x3FD2] =	sst s25  }
0xb5: {  	s5 =	sshll.u32 s26, $0x1;
	_ =	strace $0x80000049;
	[dreg:$0x1] =	wrdreg $0xFFFFFFFF  }
0xb6: {  	s28 =	simm.s32 $_size_execute0_lowered;
	s3 =	sadd.s32 s3, s5;
	[dreg:$0x0] =	wrdreg $0x0  }
0xb7: {  	s5 =	sshll.u32 s28, $0x1;
	[dreg:$0x2] =	wrdreg s3  }
0xb8: {  	[dreg:$0x3] =	wrdreg s5  }
0xb9: {  	[dreg:$0x4] =	wrdreg $0xC0  }
0xba: {  	_ =	task [dreg:s22], $0x5FFFF  }
0xbb: {  	[dreg:$0x1] =	wrdreg $0xFFFFFFFF  }
0xbc: {  	[dreg:$0x0] =	wrdreg $0x60  }
0xbd: {  	[dreg:$0x2] =	wrdreg s24  }
0xbe: {  	[dreg:$0x3] =	wrdreg $0x9  }
0xbf: {  	_ =	task.clear_ibuf [dreg:s22], $0x4FFFF;
	_ =	strace $0x90000049  }
0xc0: {  	s29 =	simm.s32 $0x9;
	_ =	strace $0x8000004B  }
0xc1: {  	_ =	swait.ge [sflag:s29], $0x1  }
0xc2: {  	[sflag:s29] =	ssyncadd.s32 $0xFFFFFFFF  }
0xc3: {  	_ =	strace $0x9000004B  }
0xc4: {  	_ =	sfence  }
0xc5: {  	s30 =	sld [smem:$0x0];
	_ =	sdelay $0x2  }
0xc6: {  	s31 =	sshll.u32 s1, $0xD;
	s1 =	sshrl.u32 s1, $0x2  }
0xc7: {  	s4 =	sand.u32 $0x4000, s31;
	s1 =	sadd.s32 s1, s30  }
0xc8: {  	s0 =	sor.u32 s4, s0;
	s1 =	sshll.u32 s1, $0x11  }
0xc9: {  	s0 =	sor.u32 s1, s0  }
0xca: {  	s0 =	sadd.s32 $0x8F2B, s0  }
0xcb: {  	[sflag:s0] =	ssyncadd.remote.s32 $0x1  }
0xcc: {  	_ =	sfence.sel $0xFFFF  }
0xcd: {  	[dreg:$0x0] =	wrdreg $0xFFFFFFFF;
	(pc) =	sbr.abs _section_cstart, $3  }
0xce: {  	[dreg:$0x1] =	wrdreg $0xFFFFFFFF  }
0xcf: {  	_ =	task.clear_ibuf [dreg:s22], $0x2FFFF;
	_ =	strace $0x9FFFFFFF  }
0xd0: {  	(tm) =	ssettm $0x7FFFFFFF  }
0xd1: {  	_ =	shalt  }
tec
execute0_lowered:
.L_overlay_start_1:
0x0: {  	(tag) =	ssettag $0x1  }
0x1: {  	s6 =	rddreg [dreg:$0x0]  }
0x2: {  	s0 =	rddreg [dreg:$0x1];
	s1 =	simm.s32 $0x0;
	s2 =	srdreg.scid  }
0x3: {  	s11 =	simm.s32 $0x200;
	s12 =	simm.s32 $0x1200;
	s13 =	simm.s32 $0x100  }
0x4: {  	s14 =	simm.s32 $0x2200;
	s15 =	simm.s32 $0x180;
	s16 =	simm.s32 $0x3200  }
0x5: {  	s17 =	simm.s32 $0x1;
	s18 =	simm.s32 $0x20;
	s19 =	simm.s32 $0x1A0  }
0x6: {  	s20 =	simm.s32 $0x0;
	[smem:$0x7FF] =	sst s1;
	s4 =	sand.u32 $0x1, s2  }
0x7: {  	s3 =	sadd.s32 $0x500E00, s6;
	s2 =	stileid.u32;
	_ =	strace $0x8000004A  }
0x8: {  	s5 =	ssub.s32 $0x2, s4;
	s8 =	sshll.u32 s2, $0xA;
	s9 =	sshll.u32 s4, $0x9  }
0x9: {  	s4 =	sadd.s32 $0x5DDE00, s6;
	s6 =	sadd.s32 $0xAD5E00, s6;
	s7 =	sshrl.u32 s5, $0x1  }
0xa: {  	s10 =	ssub.s32 s5, s7;
	s5 =	sor.u32 s9, s8;
	s9 =	simm.s32 $0x2  }
0xb: {  	s7 =	smul.u32 $0x1A0, s5;
	s8 =	smax.u32 s10, $0x1;
	s10 =	simm.s32 $0x80  }
.LBB2_1:
0xc: {  	s21 =	simm.s32 $0x0  }
.LBB2_2:
0xd: {  	s22 =	sshll.u32 s21, $0xE  }
0xe: {  	s22 =	sor.u32 s5, s22  }
0xf: {  	s22 =	sshrl.u32 s22, $0x3  }
0x10: {  	s23 =	simm.s32 $0x0;
	s22 =	sadd.s32 s3, s22  }
0x11: {  	[tilespmem:s23], [sflag:$0x2] =	stream.linear.gather [hbm4b:s22+s23], $0x200, $0x38;
	[tilespmem:$0x4200] =	vst v63  }
0x12: {  	s31 =	smul.u32 $0x186A0, s21;
	_ =	swait.ge [sflag:s9], $0x200  }
0x13: {  	[sflag:s9] =	ssyncset.done $0x0  }
0x14: {  	v0 =	vmov s31;
	s22 =	simm.s32 $0x0;
	s23 =	simm.s32 $0x40;
	[sflag:s9] =	ssyncadd.s32 $0xFFFFFE00  }
.LBB2_3:
0x15: {  	p0 =	sne.s32 s23, $0x7C0;
	v1 =	vld [tilespmem:s22+$0x0];
	_ =	sdelay $0x4  }
0x16: {  	v1 =	vadd.s32 v0, v1  }
.Ltmp0:
0x17: {  	v2 =	vshll.u32 v1, $0x2;
	(pc) =	sbr.rel @p0 .LBB2_3-.Ltmp0, $4  }
0x18: {  	v3 =	vand.u32 $0xFFFFFE00, v1;
	v1 =	vshrl.u32 v1, $0x7;
	v2 =	vand.u32 $0x1FC, v2  }
0x19: {  	v1 =	vand.u32 $0x3, v1;
	v2 =	vor.u32 v3, v2  }
0x1a: {  	v1 =	vor.u32 v1, v2  }
0x1b: {  	[tilespmem:s22+$0x0] =	vst v1;
	s22 =	sshra.s32 s23, $0x2;
	s23 =	sadd.s32 $0x40, s23  }
0x1c: {  	v1 =	vld [tilespmem:s22+$0x0];
	_ =	sdelay $0x4  }
0x1d: {  	v0 =	vadd.s32 v0, v1  }
0x1e: {  	v1 =	vshll.u32 v0, $0x2  }
0x1f: {  	v2 =	vand.u32 $0xFFFFFE00, v0;
	v0 =	vshrl.u32 v0, $0x7;
	v1 =	vand.u32 $0x1FC, v1  }
0x20: {  	v0 =	vand.u32 $0x3, v0;
	v1 =	vor.u32 v2, v1  }
0x21: {  	v0 =	vor.u32 v0, v1  }
0x22: {  	[tilespmem:s22+$0x0] =	vst v0  }
0x23: {  	[tilespmem:s11], [sflag:$0x1] =	stream.indirect.gather [hbm4b:s4+s10], $0x20, s1, s10, $0xb8;
	[tilespmem:$0x4200] =	vst v63  }
0x24: {  	_ = 	snop  }
0x25: {  	[tilespmem:s12], [sflag:$0x1] =	stream.indirect.gather [hbm4b:s4+s10], $0x20, s10, s10, $0xb8;
	[tilespmem:$0x4200] =	vst v63  }
0x26: {  	_ = 	snop  }
0x27: {  	[tilespmem:s14], [sflag:$0x1] =	stream.indirect.gather [hbm4b:s4+s10], $0x20, s13, s10, $0xb8;
	[tilespmem:$0x4200] =	vst v63  }
0x28: {  	_ = 	snop  }
0x29: {  	[tilespmem:s16], [sflag:$0x1] =	stream.indirect.gather [hbm4b:s4+s10], $0x20, s15, s10, $0xb8;
	[tilespmem:$0x4200] =	vst v63  }
0x2a: {  	_ =	swait.ge [sflag:s17], $0x1000  }
0x2b: {  	[sflag:s17] =	ssyncset.done $0x0  }
0x2c: {  	[sflag:s17] =	ssyncadd.s32 $0xFFFFF000  }
0x2d: {  	_ =	swait.ge [sflag:s17], $0x1000  }
0x2e: {  	[sflag:s17] =	ssyncset.done $0x0  }
0x2f: {  	[sflag:s17] =	ssyncadd.s32 $0xFFFFF000  }
0x30: {  	_ =	swait.ge [sflag:s17], $0x1000  }
0x31: {  	[sflag:s17] =	ssyncset.done $0x0  }
0x32: {  	s31 =	sshll.u32 s21, $0x5;
	[sflag:s17] =	ssyncadd.s32 $0xFFFFF000  }
0x33: {  	s21 =	sadd.s32 $0x1, s21;
	s22 =	sadd.s32 s7, s31;
	_ =	swait.ge [sflag:s17], $0x1000  }
0x34: {  	p0 =	sne.s32 s21, $0xD;
	s22 =	sshrl.u32 s22, $0x3;
	[sflag:s17] =	ssyncset.done $0x0  }
.Ltmp1:
0x35: {  	s22 =	sadd.s32 s6, s22;
	[sflag:s17] =	ssyncadd.s32 $0xFFFFF000;
	(pc) =	sbr.rel @p0 .LBB2_2-.Ltmp1, $4  }
0x36: {  	[hbm4b:s22+s18] =	stream.strided.scatter [tilespmem:s11], [sflag:$0x2], $0x4000, s19, s18, $0x38;
	[tilespmem:$0x4200] =	vst v63  }
0x37: {  	_ =	swait.ge [sflag:s9], $0x4000  }
0x38: {  	[sflag:s9] =	ssyncset.done $0x0  }
0x39: {  	[sflag:s9] =	ssyncadd.s32 $0xFFFFC000  }
0x3a: {  	s20 =	sadd.s32 $0x1, s20  }
0x3b: {  	p0 =	sne.s32 s20, s8  }
.Ltmp2:
0x3c: {  	_ = 	snop;
	(pc) =	sbr.rel @p0 .LBB2_1-.Ltmp2, $1  }
0x3d: {  	_ =	sdelay $0x3  }
0x3e: {  	_ =	sfence.sel $0x180000  }
0x3f: {  	[bflag:$0x0] =	sbarrier.arrive $0xFFFF  }
0x40: {  	p0 =	sne.s32 s2, $0x0;
	_ =	strace $0x9000004A  }
0x41: {  	s0 =	sadd.s32 @!p0 $0x100000, s0;
	[bflag:$0x2] =	sbarrier.arrive $0xFFFF  }
0x42: {  	[sflag:s0] =	ssyncadd.tile.s32 @!p0 $0x1;
	_ =	shalt  }
.Lfunc_end2:
_tile_overlayer_lowered:
.L_overlay_start_2:
0x43: {  	(tag) =	ssettag $0x2  }
0x44: {  	s0 =	rddreg [dreg:$0x0];
	s2 =	stileid.u32  }
0x45: {  	s1 =	rddreg [dreg:$0x1];
	p0 =	sne.s32 s2, $0x0  }
0x46: {  	s3 =	rddreg [dreg:$0x2];
	[bflag:$0x3] =	sbarrier.arrive $0xFFFF;
	s2 =	simm.s32 @!p0 $0x1C02  }
0x47: {  	[timem:s3], [sflag:s2] =	dma.local @!p0 [hbm:s0], s1  }
0x48: {  	s0 =	simm.s32 @!p0 $0x2  }
0x49: {  	_ =	swait.ge @!p0 [sflag:s0], s1  }
0x4a: {  	s1 =	ssub.s32 @!p0 $0x0, s1;
	[sflag:s0] =	ssyncset.done @!p0 $0x0  }
0x4b: {  	[sflag:s0] =	ssyncadd.s32 @!p0 s1  }
0x4c: {  	[bflag:$0x3] =	sbarrier.arrive $0xFFFF  }
0x4d: {  	_ =	shalt  }

// kernel: kernel.9.cloned.1.call-start
scs
__scs_entry_jumppad:
0x0: {  	(pc) =	sbr.rel $0x88, $3  }
0x1: {  	(tag) =	ssettag $0x0;
	lr =	simm.s32 $0x1  }
0x2: {  	[smem:$0x3F9F] =	sst lr;
	_ =	strace $0xD0000000  }
0x3: {  	_ = 	snop  }
0x4: {  	_ = 	snop  }
0x5: {  	_ = 	snop  }
0x6: {  	_ = 	snop  }
0x7: {  	_ = 	snop  }
__scs_overlays_trampoline_lowered:
0x8: {  	[smem:$0x3FAE] =	sst s0  }
0x9: {  	[smem:$0x3FAF] =	sst s1  }
0xa: {  	[smem:$0x3FB0] =	sst s2  }
0xb: {  	[smem:$0x3FB1] =	sst s3  }
0xc: {  	[smem:$0x3FB2] =	sst s4  }
0xd: {  	[smem:$0x3FB3] =	sst s5  }
0xe: {  	[smem:$0x3FB4] =	sst s6  }
0xf: {  	[smem:$0x3FB5] =	sst s7  }
0x10: {  	[smem:$0x3FB6] =	sst s8  }
0x11: {  	[smem:$0x3FB7] =	sst s9;
	s0 =	simm.s32 @!p0 $0x0  }
0x12: {  	s1 =	sld [smem:$0x3F9D];
	s0 =	simm.s32 @p0 $0x1  }
0x13: {  	[smem:$0x3FB8] =	sst s0;
	s0 =	simm.s32 @!p1 $0x0  }
0x14: {  	s2 =	sld [smem:$0x3F9C];
	s0 =	simm.s32 @p1 $0x1  }
0x15: {  	[smem:$0x3FB9] =	sst s0;
	s0 =	simm.s32 @!p2 $0x0  }
0x16: {  	s3 =	sld [smem:$0x3FDB];
	s0 =	simm.s32 @p2 $0x1  }
0x17: {  	s4 =	simm.s32 $0x1BF5;
	[smem:$0x3FBB] =	sst s0  }
0x18: {  	s0 =	sld [smem:$0x3F9E];
	_ =	swait.ge [sflag:s4], $0x0  }
0x19: {  	s7 =	sld [smem:$0x3F9F]  }
0x1a: {  	s8 =	sadd.s32 $0xFFFFE003, lr  }
0x1b: {  	s9 =	sadd.s32 $0xFFFFFEF7, lr;
	s5 =	simm.s32 $0xFFFFFFFF;
	p2 =	slt.u32 s8, $0xFFFFF086  }
0x1c: {  	p1 =	slt.u32 s9, $0xF7A;
	s5 =	simm.s32 @!p2 $0x0  }
0x1d: {  	s5 =	simm.s32 @p1 $0x1;
	p0 =	seq.s32 s7, s2  }
0x1e: {  	s7 =	smul.u32 @!p0 $0xF7A, s2;
	p2 =	seq.s32 @!p0 s5, $0x0  }
0x1f: {  	s9 =	smul.u32 $0xF7A, s1;
	s8 =	simm.s32 @!p0 $0x1BF5;
	p2 =	por !p2, p0  }
0x20: {  	[sflag:s8] =	ssyncset.s32 @!p0 $0xFFFFF086;
	s6 =	sadd.s32 @!p0 s3, s7;
	s7 =	simm.s32 @!p0 $0x108  }
0x21: {  	s3 =	sadd.s32 s3, s9;
	s6 =	sadd.s32 @!p0 $0x88, s6;
	s7 =	simm.s32 @p2 $0x1082  }
0x22: {  	[simem:s7], [sflag:s8] =	dma.local @!p0 [hbm:s6], $0xF7A  }
0x23: {  	s9 =	sor.u32 $0xD0000000, s2;
	s6 =	simm.s32 $0x108;
	_ =	swait.ge @!p0 [sflag:s8], $0x0  }
0x24: {  	s3 =	sadd.s32 $0x88, s3;
	s6 =	simm.s32 @!p1 $0x1082;
	[sflag:s4] =	ssyncset.s32 $0xFFFFF086  }
0x25: {  	[simem:s6], [sflag:s4] =	dma.local [hbm:s3], $0xF7A  }
0x26: {  	[smem:$0x3F9F] =	sst s1;
	(tag) =	ssettag s2;
	_ =	strace s9  }
0x27: {  	s1 =	sld [smem:$0x3FAF]  }
0x28: {  	s2 =	sld [smem:$0x3FB0]  }
0x29: {  	s4 =	sld [smem:$0x3FB2]  }
0x2a: {  	p0 =	seq.s32 s5, $0x0;
	s5 =	sld [smem:$0x3FB3]  }
0x2b: {  	s6 =	sld [smem:$0x3FB4]  }
0x2c: {  	s7 =	sld [smem:$0x3FB5]  }
0x2d: {  	s3 =	simm.s32 $0x108;
	s8 =	sld [smem:$0x3FB6]  }
0x2e: {  	s3 =	simm.s32 @!p0 $0x1082;
	s9 =	sld [smem:$0x3FB7]  }
0x2f: {  	lr =	sadd.s32 s0, s3;
	s0 =	sld [smem:$0x3FAE]  }
0x30: {  	s3 =	sld [smem:$0x3FB1]  }
0x31: {  	[smem:$0x3FBA] =	sst s10  }
0x32: {  	s10 =	sld [smem:$0x3FB8];
	_ =	sdelay $0x3  }
0x33: {  	p0 =	seq.s32 s10, $0x1;
	s10 =	sld [smem:$0x3FBA];
	_ =	sdelay $0x3  }
0x34: {  	[smem:$0x3FBA] =	sst s10  }
0x35: {  	s10 =	sld [smem:$0x3FB9];
	_ =	sdelay $0x3  }
0x36: {  	p1 =	seq.s32 s10, $0x1;
	s10 =	sld [smem:$0x3FBA];
	_ =	sdelay $0x3  }
0x37: {  	[smem:$0x3FBA] =	sst s10  }
0x38: {  	s10 =	sld [smem:$0x3FBB]  }
0x39: {  	_ = 	snop;
	(pc) =	sbr.ind lr, $3  }
0x3a: {  	_ = 	snop  }
0x3b: {  	_ = 	snop  }
0x3c: {  	p2 =	seq.s32 s10, $0x1;
	s10 =	sld [smem:$0x3FBA]  }
0x3d: {  	_ =	shalt  }
0x3e: {  	_ =	shalt  }
0x3f: {  	_ =	shalt  }
0x40: {  	_ =	shalt  }
0x41: {  	_ =	shalt  }
0x42: {  	_ =	shalt  }
0x43: {  	_ =	shalt  }
0x44: {  	_ =	shalt  }
0x45: {  	_ =	shalt  }
0x46: {  	_ =	shalt  }
0x47: {  	_ =	shalt  }
0x48: {  	_ =	shalt  }
0x49: {  	_ =	shalt  }
0x4a: {  	_ =	shalt  }
0x4b: {  	_ =	shalt  }
0x4c: {  	_ =	shalt  }
0x4d: {  	_ =	shalt  }
0x4e: {  	_ =	shalt  }
0x4f: {  	_ =	shalt  }
0x50: {  	_ =	shalt  }
0x51: {  	_ =	shalt  }
0x52: {  	_ =	shalt  }
0x53: {  	_ =	shalt  }
0x54: {  	_ =	shalt  }
0x55: {  	_ =	shalt  }
0x56: {  	_ =	shalt  }
0x57: {  	_ =	shalt  }
0x58: {  	_ =	shalt  }
0x59: {  	_ =	shalt  }
0x5a: {  	_ =	shalt  }
0x5b: {  	_ =	shalt  }
0x5c: {  	_ =	shalt  }
0x5d: {  	_ =	shalt  }
0x5e: {  	_ =	shalt  }
0x5f: {  	_ =	shalt  }
0x60: {  	_ =	shalt  }
0x61: {  	_ =	shalt  }
0x62: {  	_ =	shalt  }
0x63: {  	_ =	shalt  }
0x64: {  	_ =	shalt  }
0x65: {  	_ =	shalt  }
0x66: {  	_ =	shalt  }
0x67: {  	_ =	shalt  }
0x68: {  	_ =	shalt  }
0x69: {  	_ =	shalt  }
0x6a: {  	_ =	shalt  }
0x6b: {  	_ =	shalt  }
0x6c: {  	_ =	shalt  }
0x6d: {  	_ =	shalt  }
0x6e: {  	_ =	shalt  }
0x6f: {  	_ =	shalt  }
0x70: {  	_ =	shalt  }
0x71: {  	_ =	shalt  }
0x72: {  	_ =	shalt  }
0x73: {  	_ =	shalt  }
0x74: {  	_ =	shalt  }
0x75: {  	_ =	shalt  }
0x76: {  	_ =	shalt  }
0x77: {  	_ =	shalt  }
0x78: {  	_ =	shalt  }
0x79: {  	_ =	shalt  }
0x7a: {  	_ =	shalt  }
0x7b: {  	_ =	shalt  }
0x7c: {  	_ =	shalt  }
0x7d: {  	_ =	shalt  }
0x7e: {  	_ =	shalt  }
0x7f: {  	_ =	shalt  }
0x80: {  	_ =	shalt  }
0x81: {  	_ =	shalt  }
0x82: {  	_ =	shalt  }
0x83: {  	_ =	shalt  }
0x84: {  	_ =	shalt  }
0x85: {  	_ =	shalt  }
0x86: {  	_ =	shalt  }
0x87: {  	_ =	shalt  }
.Lfunc_end0:
.L_simem_size_0:
called_computation.2_lowered:
.L_overlay_start_0:
0x88: {  	s2 =	sld [smem:$0x3FD9]  }
0x89: {  	s3 =	sld [smem:$0x3FFE];
	_ =	sdelay $0x1  }
0x8a: {  	s1 =	srdreg.scid  }
0x8b: {  	s0 =	sand.u32 $0x1, s1  }
0x8c: {  	s16 =	sshll.u32 s0, $0xA;
	s2 =	sadd.s32 s3, s2  }
0x8d: {  	s2 =	sadd.s32 s2, s16  }
0x8e: {  	[smem:$0x3FC6] =	sst s2  }
0x8f: {  	_ = 	snop  }
0x90: {  	(tm) =	ssettm $0x1  }
0x91: {  	s17 =	sld [smem:$0x3FFB];
	_ =	sdelay $0x3  }
0x92: {  	_ =	strace s17  }
0x93: {  	s2 =	sld [smem:$0x3FFC];
	_ =	sdelay $0x3  }
0x94: {  	_ =	strace s2  }
0x95: {  	s2 =	sld [smem:$0x3FFD];
	_ =	sdelay $0x3  }
0x96: {  	_ =	strace s2  }
0x97: {  	_ =	strace $0x8FFFFFFF  }
0x98: {  	s18 =	sld [smem:$0x3FDB];
	_ =	sdelay $0x1  }
0x99: {  	s19 =	simm.s32 $_scs_section_size  }
0x9a: {  	s4 =	simm.s32 $_size__tile_overlayer_lowered;
	s5 =	simm.s32 $_tile_overlayer_lowered  }
0x9b: {  	s22 =	simm.s32 $0x1BFF;
	s21 =	sshll.u32 s5, $0x1;
	s2 =	sadd.s32 s19, s18  }
0x9c: {  	s6 =	simm.s32 $0x0;
	s20 =	sshll.u32 s4, $0x1;
	s4 =	sadd.s32 s21, s2  }
0x9d: {  	[timem:s6], [sflag:s22] =	dma.local [hbm:s4], s20  }
0x9e: {  	_ =	swait.ge [sflag:s22], s20  }
0x9f: {  	s3 =	ssub.s32 $0x0, s20;
	[sflag:s22] =	ssyncset.done $0x0  }
0xa0: {  	[sflag:s22] =	ssyncadd.s32 s3;
	_ =	sdelay $0x1  }
0xa1: {  	s23 =	simm.s32 $0x1B8B  }
0xa2: {  	_ =	swait.ge [sflag:s23], $0x1  }
0xa3: {  	[sflag:s23] =	ssyncset.done $0x0  }
0xa4: {  	s25 =	simm.s32 $0x1B8E;
	s24 =	sld [smem:$0x3FFE];
	[sflag:s23] =	ssyncadd.s32 $0xFFFFFFFF  }
0xa5: {  	s26 =	simm.s32 $execute0_lowered;
	[smem:$0x3FD2] =	sst s25  }
0xa6: {  	s4 =	sshll.u32 s26, $0x1;
	_ =	strace $0x80000046;
	[dreg:$0x1] =	wrdreg $0xFFFFFFFF  }
0xa7: {  	s28 =	simm.s32 $_size_execute0_lowered;
	s2 =	sadd.s32 s2, s4;
	[dreg:$0x0] =	wrdreg $0x0  }
0xa8: {  	s4 =	sshll.u32 s28, $0x1;
	[dreg:$0x2] =	wrdreg s2  }
0xa9: {  	[dreg:$0x3] =	wrdreg s4  }
0xaa: {  	[dreg:$0x4] =	wrdreg $0xC0  }
0xab: {  	_ =	task [dreg:s6], $0x5FFFF  }
0xac: {  	[dreg:$0x1] =	wrdreg $0xFFFFFFFF  }
0xad: {  	[dreg:$0x0] =	wrdreg $0x60  }
0xae: {  	[dreg:$0x2] =	wrdreg s24  }
0xaf: {  	[dreg:$0x3] =	wrdreg $0xA  }
0xb0: {  	_ =	task.clear_ibuf [dreg:s6], $0x4FFFF;
	_ =	strace $0x90000046  }
0xb1: {  	s29 =	simm.s32 $0xA;
	_ =	strace $0x80000048  }
0xb2: {  	_ =	swait.ge [sflag:s29], $0x1  }
0xb3: {  	[sflag:s29] =	ssyncadd.s32 $0xFFFFFFFF  }
0xb4: {  	_ =	strace $0x90000048  }
0xb5: {  	_ =	sfence  }
0xb6: {  	s30 =	sld [smem:$0x0];
	_ =	sdelay $0x2  }
0xb7: {  	s31 =	sshll.u32 s1, $0xD;
	s1 =	sshrl.u32 s1, $0x2  }
0xb8: {  	s3 =	sand.u32 $0x4000, s31;
	s1 =	sadd.s32 s1, s30  }
0xb9: {  	s0 =	sor.u32 s3, s0;
	s1 =	sshll.u32 s1, $0x11  }
0xba: {  	s0 =	sor.u32 s1, s0  }
0xbb: {  	s0 =	sadd.s32 $0x8F2B, s0  }
0xbc: {  	[sflag:s0] =	ssyncadd.remote.s32 $0x1  }
0xbd: {  	_ =	sfence.sel $0xFFFF  }
0xbe: {  	[dreg:$0x0] =	wrdreg $0xFFFFFFFF;
	(pc) =	sbr.abs _section_cstart, $3  }
0xbf: {  	[dreg:$0x1] =	wrdreg $0xFFFFFFFF  }
0xc0: {  	_ =	task.clear_ibuf [dreg:s6], $0x2FFFF;
	_ =	strace $0x9FFFFFFF  }
0xc1: {  	(tm) =	ssettm $0x7FFFFFFF  }
tec
execute0_lowered:
.L_overlay_start_1:
0x0: {  	(tag) =	ssettag $0x1  }
0x1: {  	s5 =	rddreg [dreg:$0x0]  }
0x2: {  	s0 =	rddreg [dreg:$0x1]  }
0x3: {  	s1 =	simm.s32 $0x0;
	s2 =	srdreg.scid;
	s10 =	simm.s32 $0x80  }
0x4: {  	s11 =	simm.s32 $0x200;
	s12 =	simm.s32 $0x1200;
	s13 =	simm.s32 $0x100  }
0x5: {  	s14 =	simm.s32 $0x2200;
	s15 =	simm.s32 $0x180;
	s16 =	simm.s32 $0x3200  }
0x6: {  	s17 =	simm.s32 $0x1;
	s18 =	simm.s32 $0x20;
	s19 =	simm.s32 $0x1A0  }
0x7: {  	s20 =	simm.s32 $0x0;
	[smem:$0x7FF] =	sst s1;
	s3 =	sadd.s32 $0x500E00, s5  }
0x8: {  	s6 =	sand.u32 $0x1, s2;
	s4 =	sadd.s32 $0xE00, s5;
	s2 =	stileid.u32  }
0x9: {  	s5 =	sadd.s32 $0x50DE00, s5;
	_ =	strace $0x80000047;
	s7 =	ssub.s32 $0x2, s6  }
0xa: {  	s9 =	sshll.u32 s2, $0xA;
	s6 =	sshll.u32 s6, $0x9;
	s8 =	sshrl.u32 s7, $0x1  }
0xb: {  	s31 =	sor.u32 s6, s9;
	s9 =	simm.s32 $0x2;
	s8 =	ssub.s32 s7, s8  }
0xc: {  	s6 =	sor.u32 $0x34000, s31;
	s7 =	smul.u32 $0x1A0, s31;
	s8 =	smax.u32 s8, $0x1  }
.LBB2_1:
0xd: {  	s21 =	simm.s32 $0x0  }
.LBB2_2:
0xe: {  	s22 =	sshll.u32 s21, $0xE  }
0xf: {  	s22 =	sadd.s32 s6, s22  }
0x10: {  	s22 =	sshrl.u32 s22, $0x3  }
0x11: {  	s23 =	simm.s32 $0x0;
	s31 =	smul.u32 $0x186A0, s21;
	s22 =	sadd.s32 s3, s22  }
0x12: {  	[tilespmem:s23], [sflag:$0x2] =	stream.linear.gather [hbm4b:s22+s23], $0x200, $0x38;
	[tilespmem:$0x4200] =	vst v63  }
0x13: {  	_ =	swait.ge [sflag:s9], $0x200  }
0x14: {  	s22 =	sadd.s32 $0x1620, s31;
	[sflag:s9] =	ssyncset.done $0x0  }
0x15: {  	s23 =	simm.s32 $0x40;
	v0 =	vmov s22;
	s22 =	simm.s32 $0x0;
	[sflag:s9] =	ssyncadd.s32 $0xFFFFFE00  }
.LBB2_3:
0x16: {  	p0 =	sne.s32 s23, $0x7C0;
	v1 =	vld [tilespmem:s22+$0x0];
	_ =	sdelay $0x4  }
0x17: {  	v1 =	vadd.s32 v0, v1  }
.Ltmp0:
0x18: {  	v2 =	vshll.u32 v1, $0x2;
	(pc) =	sbr.rel @p0 .LBB2_3-.Ltmp0, $4  }
0x19: {  	v3 =	vand.u32 $0xFFFFFE00, v1;
	v1 =	vshrl.u32 v1, $0x7;
	v2 =	vand.u32 $0x1FC, v2  }
0x1a: {  	v1 =	vand.u32 $0x3, v1;
	v2 =	vor.u32 v3, v2  }
0x1b: {  	v1 =	vor.u32 v1, v2  }
0x1c: {  	[tilespmem:s22+$0x0] =	vst v1;
	s22 =	sshra.s32 s23, $0x2;
	s23 =	sadd.s32 $0x40, s23  }
0x1d: {  	v1 =	vld [tilespmem:s22+$0x0];
	_ =	sdelay $0x4  }
0x1e: {  	v0 =	vadd.s32 v0, v1  }
0x1f: {  	v1 =	vshll.u32 v0, $0x2  }
0x20: {  	v2 =	vand.u32 $0xFFFFFE00, v0;
	v0 =	vshrl.u32 v0, $0x7;
	v1 =	vand.u32 $0x1FC, v1  }
0x21: {  	v0 =	vand.u32 $0x3, v0;
	v1 =	vor.u32 v2, v1  }
0x22: {  	v0 =	vor.u32 v0, v1  }
0x23: {  	[tilespmem:s22+$0x0] =	vst v0  }
0x24: {  	[tilespmem:s11], [sflag:$0x1] =	stream.indirect.gather [hbm4b:s4+s10], $0x20, s1, s10, $0xb8;
	[tilespmem:$0x4200] =	vst v63  }
0x25: {  	_ = 	snop  }
0x26: {  	[tilespmem:s12], [sflag:$0x1] =	stream.indirect.gather [hbm4b:s4+s10], $0x20, s10, s10, $0xb8;
	[tilespmem:$0x4200] =	vst v63  }
0x27: {  	_ = 	snop  }
0x28: {  	[tilespmem:s14], [sflag:$0x1] =	stream.indirect.gather [hbm4b:s4+s10], $0x20, s13, s10, $0xb8;
	[tilespmem:$0x4200] =	vst v63  }
0x29: {  	_ = 	snop  }
0x2a: {  	[tilespmem:s16], [sflag:$0x1] =	stream.indirect.gather [hbm4b:s4+s10], $0x20, s15, s10, $0xb8;
	[tilespmem:$0x4200] =	vst v63  }
0x2b: {  	_ =	swait.ge [sflag:s17], $0x1000  }
0x2c: {  	[sflag:s17] =	ssyncset.done $0x0  }
0x2d: {  	[sflag:s17] =	ssyncadd.s32 $0xFFFFF000  }
0x2e: {  	_ =	swait.ge [sflag:s17], $0x1000  }
0x2f: {  	[sflag:s17] =	ssyncset.done $0x0  }
0x30: {  	[sflag:s17] =	ssyncadd.s32 $0xFFFFF000  }
0x31: {  	_ =	swait.ge [sflag:s17], $0x1000  }
0x32: {  	[sflag:s17] =	ssyncset.done $0x0  }
0x33: {  	s31 =	sshll.u32 s21, $0x5;
	[sflag:s17] =	ssyncadd.s32 $0xFFFFF000  }
0x34: {  	s21 =	sadd.s32 $0x1, s21;
	s22 =	sadd.s32 s7, s31;
	_ =	swait.ge [sflag:s17], $0x1000  }
0x35: {  	p0 =	sne.s32 s21, $0xD;
	s22 =	sshrl.u32 s22, $0x3;
	[sflag:s17] =	ssyncset.done $0x0  }
.Ltmp1:
0x36: {  	s22 =	sadd.s32 s5, s22;
	[sflag:s17] =	ssyncadd.s32 $0xFFFFF000;
	(pc) =	sbr.rel @p0 .LBB2_2-.Ltmp1, $4  }
0x37: {  	[hbm4b:s22+s18] =	stream.strided.scatter [tilespmem:s11], [sflag:$0x2], $0x4000, s19, s18, $0x38;
	[tilespmem:$0x4200] =	vst v63  }
0x38: {  	_ =	swait.ge [sflag:s9], $0x4000  }
0x39: {  	[sflag:s9] =	ssyncset.done $0x0  }
0x3a: {  	[sflag:s9] =	ssyncadd.s32 $0xFFFFC000  }
0x3b: {  	s20 =	sadd.s32 $0x1, s20  }
0x3c: {  	p0 =	sne.s32 s20, s8  }
.Ltmp2:
0x3d: {  	_ = 	snop;
	(pc) =	sbr.rel @p0 .LBB2_1-.Ltmp2, $1  }
0x3e: {  	_ =	sdelay $0x3  }
0x3f: {  	_ =	sfence.sel $0x180000  }
0x40: {  	[bflag:$0x0] =	sbarrier.arrive $0xFFFF  }
0x41: {  	p0 =	sne.s32 s2, $0x0;
	_ =	strace $0x90000047  }
0x42: {  	s0 =	sadd.s32 @!p0 $0x100000, s0;
	[bflag:$0x2] =	sbarrier.arrive $0xFFFF  }
0x43: {  	[sflag:s0] =	ssyncadd.tile.s32 @!p0 $0x1;
	_ =	shalt  }
.Lfunc_end2:
_tile_overlayer_lowered:
.L_overlay_start_2:
0x44: {  	(tag) =	ssettag $0x2  }
0x45: {  	s0 =	rddreg [dreg:$0x0];
	s2 =	stileid.u32  }
0x46: {  	s1 =	rddreg [dreg:$0x1];
	p0 =	sne.s32 s2, $0x0  }
0x47: {  	s3 =	rddreg [dreg:$0x2];
	[bflag:$0x3] =	sbarrier.arrive $0xFFFF;
	s2 =	simm.s32 @!p0 $0x1C02  }
0x48: {  	[timem:s3], [sflag:s2] =	dma.local @!p0 [hbm:s0], s1  }
0x49: {  	s0 =	simm.s32 @!p0 $0x2  }
0x4a: {  	_ =	swait.ge @!p0 [sflag:s0], s1  }
0x4b: {  	s1 =	ssub.s32 @!p0 $0x0, s1;
	[sflag:s0] =	ssyncset.done @!p0 $0x0  }
0x4c: {  	[sflag:s0] =	ssyncadd.s32 @!p0 s1  }
0x4d: {  	[bflag:$0x3] =	sbarrier.arrive $0xFFFF  }
0x4e: {  	_ =	shalt  }

// kernel: sparse-core-data-format-call.cloned.1.call-start
scs
called_computation_lowered:
.L_overlay_start_0:
0x0: {  	s2 =	sld [smem:$0x3FD9]  }
0x1: {  	s3 =	sld [smem:$0x3FFE];
	_ =	sdelay $0x1  }
0x2: {  	s1 =	srdreg.scid  }
0x3: {  	s0 =	sand.u32 $0x1, s1  }
0x4: {  	s18 =	sshll.u32 s0, $0xA;
	s2 =	sadd.s32 s3, s2  }
0x5: {  	s2 =	sadd.s32 s2, s18  }
0x6: {  	[smem:$0x3FC6] =	sst s2  }
0x7: {  	_ = 	snop  }
0x8: {  	s2 =	sld [smem:$0x3FD0];
	(tm) =	ssettm $0x1  }
0x9: {  	s19 =	sld [smem:$0x3FFB];
	_ =	sdelay $0x3  }
0xa: {  	_ =	strace s19  }
0xb: {  	s3 =	sld [smem:$0x3FFC];
	_ =	sdelay $0x3  }
0xc: {  	_ =	strace s3  }
0xd: {  	s3 =	sld [smem:$0x3FFD];
	_ =	sdelay $0x3  }
0xe: {  	_ =	strace s3  }
0xf: {  	_ =	strace $0x8FFFFFFF  }
0x10: {  	s20 =	sld [smem:$0x3FDB];
	_ =	sdelay $0x1  }
0x11: {  	s4 =	simm.s32 $_scs_section_size  }
0x12: {  	s5 =	simm.s32 $_size__tile_overlayer_lowered;
	s6 =	simm.s32 $_tile_overlayer_lowered  }
0x13: {  	s23 =	simm.s32 $0x1BFF;
	s22 =	sshll.u32 s6, $0x1;
	s3 =	sadd.s32 s4, s20  }
0x14: {  	s7 =	simm.s32 $0x0;
	s21 =	sshll.u32 s5, $0x1;
	s5 =	sadd.s32 s22, s3  }
0x15: {  	[timem:s7], [sflag:s23] =	dma.local [hbm:s5], s21  }
0x16: {  	_ =	swait.ge [sflag:s23], s21  }
0x17: {  	s4 =	ssub.s32 $0x0, s21;
	[sflag:s23] =	ssyncset.done $0x0  }
0x18: {  	[sflag:s23] =	ssyncadd.s32 s4;
	_ =	sdelay $0x1  }
0x19: {  	s24 =	simm.s32 $0x1B8B  }
0x1a: {  	_ =	swait.ge [sflag:s24], $0x1  }
0x1b: {  	[sflag:s24] =	ssyncset.done $0x0  }
0x1c: {  	s26 =	simm.s32 $0x1B8E;
	s25 =	sld [smem:$0x3FFE];
	[sflag:s24] =	ssyncadd.s32 $0xFFFFFFFF  }
0x1d: {  	s27 =	simm.s32 $execute0_lowered;
	[smem:$0x3FD2] =	sst s26  }
0x1e: {  	s5 =	sshll.u32 s27, $0x1;
	_ =	strace $0x8000004C;
	[dreg:$0x1] =	wrdreg $0xFFFFFFFF  }
0x1f: {  	s28 =	simm.s32 $_size_execute0_lowered;
	s3 =	sadd.s32 s3, s5;
	[dreg:$0x0] =	wrdreg $0x0  }
0x20: {  	s5 =	sshll.u32 s28, $0x1;
	[dreg:$0x2] =	wrdreg s3  }
0x21: {  	[dreg:$0x3] =	wrdreg s5  }
0x22: {  	[dreg:$0x4] =	wrdreg $0xC0  }
0x23: {  	_ =	task [dreg:s7], $0x5FFFF  }
0x24: {  	[dreg:$0x1] =	wrdreg $0xFFFFFFFF  }
0x25: {  	[dreg:$0x0] =	wrdreg $0x60  }
0x26: {  	[dreg:$0x2] =	wrdreg s25  }
0x27: {  	[dreg:$0x3] =	wrdreg s2  }
0x28: {  	[dreg:$0x4] =	wrdreg $0x9  }
0x29: {  	_ =	task.clear_ibuf [dreg:s7], $0x5FFFF;
	_ =	strace $0x9000004C  }
0x2a: {  	s29 =	simm.s32 $0x9;
	_ =	strace $0x8000004E  }
0x2b: {  	_ =	swait.ge [sflag:s29], $0x1  }
0x2c: {  	[sflag:s29] =	ssyncadd.s32 $0xFFFFFFFF  }
0x2d: {  	_ =	strace $0x9000004E  }
0x2e: {  	_ =	sfence  }
0x2f: {  	s30 =	sld [smem:$0x0];
	_ =	sdelay $0x2  }
0x30: {  	s31 =	sshll.u32 s1, $0xD;
	s1 =	sshrl.u32 s1, $0x2  }
0x31: {  	s3 =	sand.u32 $0x4000, s31;
	s1 =	sadd.s32 s1, s30  }
0x32: {  	s0 =	sor.u32 s3, s0;
	s1 =	sshll.u32 s1, $0x11  }
0x33: {  	s0 =	sor.u32 s1, s0  }
0x34: {  	s0 =	sadd.s32 $0x8F2B, s0  }
0x35: {  	[sflag:s0] =	ssyncadd.remote.s32 $0x1  }
0x36: {  	_ =	sfence.sel $0xFFFF  }
0x37: {  	[dreg:$0x0] =	wrdreg $0xFFFFFFFF;
	(pc) =	sbr.abs _section_cstart, $3  }
0x38: {  	[dreg:$0x1] =	wrdreg $0xFFFFFFFF  }
0x39: {  	_ =	task.clear_ibuf [dreg:s7], $0x2FFFF;
	_ =	strace $0x9FFFFFFF  }
0x3a: {  	(tm) =	ssettm $0x7FFFFFFF  }
0x3b: {  	_ =	shalt  }
tec
execute0_lowered:
.L_overlay_start_1:
0x0: {  	(tag) =	ssettag $0x1  }
0x1: {  	s0 =	srdreg.scid  }
0x2: {  	s1 =	sshll.u32 s0, $0x4  }
0x3: {  	s6 =	rddreg [dreg:$0x0];
	s0 =	stileid.u32;
	s1 =	sand.u32 $0x10, s1  }
0x4: {  	s3 =	rddreg [dreg:$0x1];
	s1 =	sor.u32 s0, s1  }
0x5: {  	s5 =	simm.s32 $0x1;
	s31 =	simm.s32 $0x2;
	s2 =	sshll.u32 s1, $0x7  }
0x6: {  	s15 =	simm.s32 $0x0;
	s8 =	simm.s32 $0x20000;
	s4 =	ssub.s32 $0x4000, s2  }
0x7: {  	s14 =	simm.s32 $0x0;
	s9 =	simm.s32 $0x0;
	s30 =	sand.u32 $0xF80, s4  }
0x8: {  	s10 =	simm.s32 $0x0;
	s11 =	simm.s32 $0x0;
	p0 =	sne.s32 s30, $0x0  }
.Ltmp0:
0x9: {  	s7 =	sshrl.u32 s4, $0xC;
	s5 =	simm.s32 @!p0 $0x0;
	(pc) =	sbr.rel .LBB1_1-.Ltmp0, $4  }
0xa: {  	s13 =	simm.s32 $0x0;
	s1 =	rddreg [dreg:$0x2];
	s5 =	sadd.s32 s5, s7  }
0xb: {  	_ =	strace $0x8000004D;
	s4 =	simm.s32 $0x1;
	s5 =	smul.u32 $0x7, s5  }
0xc: {  	s6 =	sadd.s32 $0x100E00, s6;
	s12 =	smov.u32 s2;
	[sflag:s4] =	ssyncpa.u1 $0x0  }
0xd: {  	[sflag:s31] =	ssyncpa.u1 $0x0;
	p0 =	por $0x0, $0x0;
	s7 =	sadd.s32 $0x1, s5  }
.LBB1_4:
0xe: {  	s20 =	sshra.s32 s20, $0x2  }
0xf: {  	s28 =	sand.u32 $0x78, s10;
	s21 =	sshll.u32 s9, $0xE;
	s22 =	sshll.u32 s10, $0x3  }
0x10: {  	s24 =	sshll.u32 s9, $0x7;
	p1 =	sgt.s32 s9, $0x2C0;
	s30 =	sshra.s32 s9, $0x1F  }
0x11: {  	s26 =	sshra.s32 s10, $0x1F;
	s19 =	sadd.s32 s20, s19;
	s21 =	sand.u32 $0xFFFE0000, s21  }
0x12: {  	v5 =	vld [tilespmem:s17+$0xFFFFFFD0];
	[tilespmem:s18+$0x2040 ss:$0x81] =	vst.msk $0xffff, v4;
	s23 =	sand.u32 $0xFFFFFC00, s22;
	s29 =	sand.u32 $0x380, s24;
	s22 =	sand.u32 $0x3C00, s22  }
0x13: {  	v58 =	vld [tilespmem:s17+$0xFFFFFFE0];
	[tilespmem:s18+$0x2850 ss:$0x81] =	vst.msk $0xffff, v3;
	s21 =	sadd.s32 s23, s21;
	s20 =	sor.u32 s28, s22;
	s22 =	smov.u32 s9  }
0x14: {  	v59 =	vld [tilespmem:s17+$0xFFFFFFF0];
	[tilespmem:s18+$0x3060 ss:$0x81] =	vst.msk $0xffff, v2;
	s24 =	sand.u32 s30, s9;
	s21 =	sshrl.u32 s21, $0xE;
	s22 =	simm.s32 @!p1 $0x2C0  }
0x15: {  	v60 =	vld [tilespmem:s17+$0x0];
	[tilespmem:s18+$0x0 ss:$0x81] =	vst.msk $0xffff, v1;
	p1 =	sgt.s32 s10, $0x3F80;
	s31 =	ssub.s32 s22, s24;
	s22 =	smov.u32 s10  }
0x16: {  	v61 =	vld [tilespmem:s17+$0x10];
	[tilespmem:s19+$0x3870 ss:$0x81] =	vst.msk $0xffff, v0;
	s25 =	smulhi.u32 $0x4EC4ED, s21;
	s24 =	sand.u32 s26, s10;
	s22 =	simm.s32 @!p1 $0x3F80  }
0x17: {  	v62 =	vld [tilespmem:s17+$0x20];
	s20 =	sor.u32 s29, s20;
	[tilespmem:s19+$0x810 ss:$0x81] =	vst.msk $0xffff, v5;
	s27 =	sadd.s32 $0xFFFFFD40, s31;
	s22 =	ssub.s32 s22, s24  }
0x18: {  	v63 =	vld [tilespmem:s17+$0xFFFFFFC0];
	[tilespmem:s19+$0x1020 ss:$0x81] =	vst.msk $0xffff, v58;
	s18 =	ssub.s32 $0x340, s31;
	s28 =	smul.u32 $0x340, s25;
	s29 =	sadd.s32 $0xFFFFC080, s22  }
0x19: {  	[tilespmem:s19+$0x1830 ss:$0x81] =	vst.msk $0xffff, v59;
	p1 =	sgt.s32 s27, $0x7F;
	s22 =	ssub.s32 $0x4000, s22;
	p2 =	sgt.s32 s29, $0x7F  }
0x1a: {  	s30 =	sand.u32 $0x7, s10;
	[tilespmem:s19+$0x2040 ss:$0x81] =	vst.msk $0xffff, v60;
	s18 =	simm.s32 @p1 $0x0;
	s22 =	simm.s32 @p2 $0x0  }
0x1b: {  	s20 =	sshrl.u32 s20, $0x3;
	[tilespmem:s19+$0x2850 ss:$0x81] =	vst.msk $0xffff, v61;
	s17 =	ssub.s32 s21, s28;
	s18 =	smul.u32 s22, s18  }
0x1c: {  	[tilespmem:s19+$0x3060 ss:$0x81] =	vst.msk $0xffff, v62;
	s20 =	sadd.s32 s3, s20;
	s21 =	sshll.u32 s30, $0x12;
	s17 =	sshll.u32 s17, $0xB  }
0x1d: {  	[tilespmem:s19+$0x0 ss:$0x81] =	vst.msk $0xffff, v63;
	s31 =	sor.u32 $0x400, s21;
	s17 =	sadd.s32 s17, s20;
	s18 =	sand.u32 $0x3FFFFFFF, s18  }
0x1e: {  	[hbm4b:s17+s31] =	stream.strided.scatter [tilespmem:s16], [sflag:$0x2], s18, s8, s31, $0x20;
	[tilespmem:$0x10100] =	vst v63  }
.LBB1_5:
0x1f: {  	p1 =	slt.u32 s13, $0x2  }
0x20: {  	s17 =	smov.u32 s15;
	p2 =	sgt.s32 @!p1 s15, $0x2C0;
	s16 =	sshra.s32 @!p1 s15, $0x1F  }
0x21: {  	p3 =	sgt.s32 @!p1 s14, $0x3F80;
	s18 =	sshra.s32 @!p1 s14, $0x1F;
	p2 =	por !p2, p1  }
0x22: {  	s15 =	sand.u32 @!p1 s16, s15;
	p3 =	por !p3, p1;
	s16 =	smov.u32 s14  }
0x23: {  	s14 =	sand.u32 @!p1 s18, s14;
	s17 =	simm.s32 @p2 $0x2C0;
	s16 =	simm.s32 @p3 $0x3F80  }
0x24: {  	s15 =	ssub.s32 @!p1 s17, s15;
	s14 =	ssub.s32 @!p1 s16, s14  }
0x25: {  	s18 =	smov.u32 s12;
	s16 =	sadd.s32 @!p1 $0xFFFFFD40, s15;
	s17 =	sadd.s32 @!p1 $0xFFFFC080, s14  }
0x26: {  	s15 =	ssub.s32 @!p1 $0x340, s15;
	p2 =	sgt.s32 @!p1 s16, $0x7F;
	p3 =	sgt.s32 @!p1 s17, $0x7F  }
0x27: {  	s14 =	ssub.s32 @!p1 $0x4000, s14;
	p2 =	por !p2, p1;
	p3 =	por !p3, p1  }
0x28: {  	s16 =	sadd.s32 $0x80, s11;
	s15 =	simm.s32 @!p2 $0x0;
	s14 =	simm.s32 @!p3 $0x0  }
0x29: {  	p2 =	sgt.s32 s16, $0x33F;
	s14 =	smul.u32 @!p1 s14, s15;
	s15 =	sadd.s32 $0x1000, s12  }
0x2a: {  	s18 =	smov.u32 @p2 s15  }
0x2b: {  	s16 =	simm.s32 @p2 $0x0;
	p2 =	sgt.s32 s18, $0x3FFF  }
0x2c: {  	s18 =	smov.u32 @p2 s2;
	p2 =	sne.s32 s13, s7  }
.Ltmp1:
0x2d: {  	p0 =	por !p0, !p0;
	s17 =	simm.s32 @!p1 $0x2;
	(pc) =	sbr.rel @!p2 .LBB1_6-.Ltmp1, $4  }
0x2e: {  	s15 =	smov.u32 s9;
	s9 =	smov.u32 s11;
	s14 =	sand.u32 @!p1 $0x3FFFFFFF, s14  }
0x2f: {  	s11 =	smov.u32 s16;
	_ =	swait.ge @!p1 [sflag:s17], s14;
	s19 =	ssub.s32 @!p1 $0x0, s14  }
0x30: {  	s14 =	smov.u32 s10;
	s13 =	sadd.s32 $0x1, s13;
	[sflag:s17] =	ssyncset.done @!p1 $0x0  }
0x31: {  	s10 =	smov.u32 s12;
	s12 =	smov.u32 s18;
	[sflag:s17] =	ssyncadd.s32 @!p1 s19  }
.LBB1_1:
0x32: {  	p1 =	sge.u32 s13, s5  }
0x33: {  	s16 =	sshrl.u32 @!p1 s12, $0x3  }
0x34: {  	s17 =	sshll.u32 @!p1 s11, $0x3;
	s16 =	smul.u32 @!p1 $0x1C00, s16  }
0x35: {  	s18 =	sshll.u32 @!p1 s12, $0x7;
	s17 =	sand.u32 @!p1 $0xFFFFFC00, s17  }
0x36: {  	s16 =	sadd.s32 @!p1 s16, s17;
	s17 =	sand.u32 @!p1 $0x380, s18  }
0x37: {  	s16 =	sor.u32 @!p1 s17, s16  }
0x38: {  	s17 =	sshrl.u32 @!p1 s16, $0x7  }
0x39: {  	s17 =	smulhi.u32 @!p1 $0x24924925, s17;
	_ =	sdelay $0x1  }
0x3a: {  	s18 =	sand.u32 @!p1 $0x7F, s11;
	s19 =	smul.u32 @!p1 $0x380, s17  }
0x3b: {  	s31 =	sadd.s32 $0xFFFFFFFF, s13;
	s16 =	sor.u32 @!p1 s18, s16;
	s18 =	sxor.u32 @!p1 $0xFFFFFFFF, s13  }
0x3c: {  	s18 =	sshll.u32 @!p1 s18, $0xE;
	s17 =	sand.u32 @!p1 $0x3FFF, s17;
	s16 =	ssub.s32 @!p1 s16, s19  }
0x3d: {  	s17 =	smul.u32 @!p1 $0x70, s17;
	s19 =	sshrl.u32 @!p1 s16, $0x3;
	s16 =	sand.u32 @!p1 $0x7, s16  }
0x3e: {  	s18 =	sand.u32 @!p1 $0x4000, s18;
	s19 =	sadd.s32 @!p1 s6, s19;
	s16 =	sshll.u32 @!p1 s16, $0x12  }
0x3f: {  	s17 =	sadd.s32 @!p1 s17, s19;
	s16 =	sor.u32 @!p1 $0x400, s16;
	s19 =	simm.s32 @!p1 $0x1C00  }
0x40: {  	[tilespmem:s18], [sflag:$0x1] =	stream.strided.gather @!p1 [hbm4b:s17+s16], $0x4000, s19, s16, $0x38;
	[tilespmem:$0x10100] =	vst v63  }
0x41: {  	p1 =	sge.u32 s31, s5  }
.Ltmp2:
0x42: {  	_ = 	snop;
	(pc) =	sbr.rel @p1 .LBB1_5-.Ltmp2, $1  }
0x43: {  	_ =	sdelay $0x3  }
0x44: {  	s16 =	simm.s32 $0x1  }
0x45: {  	_ =	swait.ge [sflag:s4], $0x4000;
	s16 =	simm.s32 @!p0 $0x0  }
0x46: {  	[sflag:s4] =	ssyncset.done $0x0;
	s17 =	sshll.u32 s16, $0xE  }
0x47: {  	[sflag:s4] =	ssyncadd.s32 $0xFFFFC000;
	s17 =	sor.u32 $0x40, s17  }
0x48: {  	s16 =	smul.u32 $0x10200, s16;
	v0 =	vld [tilespmem:s17+$0x30]  }
0x49: {  	v1 =	vld [tilespmem:s17+$0xFFFFFFD0]  }
0x4a: {  	s16 =	sshrl.u32 s16, $0x2;
	v5 =	vld [tilespmem:s17+$0xFFFFFFE0]  }
0x4b: {  	v6 =	vld [tilespmem:s17+$0xFFFFFFF0];
	s19 =	sor.u32 $0x8000, s16  }
0x4c: {  	s31 =	sand.u32 $0x1, s13;
	v4 =	vld [tilespmem:s17+$0x0];
	s18 =	sadd.s32 $0x0, s19  }
0x4d: {  	v3 =	vld [tilespmem:s17+$0x10];
	s16 =	smul.u32 $0x10200, s31;
	[tilespmem:s18+$0x3870 ss:$0x81] =	vst.msk $0xffff, v0  }
0x4e: {  	v2 =	vld [tilespmem:s17+$0x20];
	[tilespmem:s18+$0x810 ss:$0x81] =	vst.msk $0xffff, v1  }
0x4f: {  	s16 =	sshrl.u32 s16, $0x2;
	v1 =	vld [tilespmem:s17+$0xFFFFFFC0];
	[tilespmem:s18+$0x1020 ss:$0x81] =	vst.msk $0xffff, v5;
	s17 =	sadd.s32 $0x80, s17  }
0x50: {  	s20 =	simm.s32 $0x4;
	s21 =	simm.s32 $0x8;
	s16 =	sor.u32 $0x8000, s16;
	[tilespmem:s18+$0x1830 ss:$0x81] =	vst.msk $0xffff, v6;
	v0 =	vld [tilespmem:s17+$0x30]  }
.LBB1_3:
0x51: {  	p1 =	sne.s32 s21, $0x1FC;
	v5 =	vld [tilespmem:s17+$0xFFFFFFD0];
	[tilespmem:s18+$0x2040 ss:$0x81] =	vst.msk $0xffff, v4  }
0x52: {  	v6 =	vld [tilespmem:s17+$0xFFFFFFE0];
	[tilespmem:s18+$0x2850 ss:$0x81] =	vst.msk $0xffff, v3  }
0x53: {  	s22 =	sshra.s32 s20, $0x2;
	s20 =	smov.u32 s21;
	v7 =	vld [tilespmem:s17+$0xFFFFFFF0];
	[tilespmem:s18+$0x3060 ss:$0x81] =	vst.msk $0xffff, v2  }
.Ltmp3:
0x54: {  	v4 =	vld [tilespmem:s17+$0x0];
	[tilespmem:s18+$0x0 ss:$0x81] =	vst.msk $0xffff, v1;
	s18 =	sadd.s32 s22, s19;
	(pc) =	sbr.rel @p1 .LBB1_3-.Ltmp3, $4  }
0x55: {  	v3 =	vld [tilespmem:s17+$0x10];
	[tilespmem:s18+$0x3870 ss:$0x81] =	vst.msk $0xffff, v0  }
0x56: {  	[tilespmem:s18+$0x810 ss:$0x81] =	vst.msk $0xffff, v5;
	v2 =	vld [tilespmem:s17+$0x20]  }
0x57: {  	v1 =	vld [tilespmem:s17+$0xFFFFFFC0];
	[tilespmem:s18+$0x1020 ss:$0x81] =	vst.msk $0xffff, v6;
	s17 =	sadd.s32 $0x80, s17  }
0x58: {  	s21 =	sadd.s32 $0x4, s21;
	v0 =	vld [tilespmem:s17+$0x30];
	[tilespmem:s18+$0x1830 ss:$0x81] =	vst.msk $0xffff, v7  }
.Ltmp4:
0x59: {  	_ = 	snop;
	(pc) =	sbr.rel .LBB1_4-.Ltmp4, $1  }
0x5a: {  	_ =	sdelay $0x3  }
.LBB1_6:
0x5b: {  	_ =	sfence.sel $0x180000  }
0x5c: {  	s2 =	simm.s32 $0x1;
	[bflag:$0x0] =	sbarrier.arrive $0xFFFF  }
0x5d: {  	s31 =	simm.s32 $0x2;
	[sflag:s2] =	ssyncpa.u1 $0x1  }
0x5e: {  	[sflag:s31] =	ssyncpa.u1 $0x1  }
0x5f: {  	p0 =	sne.s32 s0, $0x0;
	_ =	strace $0x9000004D  }
0x60: {  	s0 =	sadd.s32 @!p0 $0x100000, s1;
	[bflag:$0x2] =	sbarrier.arrive $0xFFFF  }
0x61: {  	[sflag:s0] =	ssyncadd.tile.s32 @!p0 $0x1;
	_ =	shalt  }
.Lfunc_end1:
_tile_overlayer_lowered:
.L_overlay_start_2:
0x62: {  	(tag) =	ssettag $0x2  }
0x63: {  	s0 =	rddreg [dreg:$0x0];
	s2 =	stileid.u32  }
0x64: {  	s1 =	rddreg [dreg:$0x1];
	p0 =	sne.s32 s2, $0x0  }
0x65: {  	s3 =	rddreg [dreg:$0x2];
	[bflag:$0x3] =	sbarrier.arrive $0xFFFF;
	s2 =	simm.s32 @!p0 $0x1C01  }
0x66: {  	[timem:s3], [sflag:s2] =	dma.local @!p0 [hbm:s0], s1  }
0x67: {  	s0 =	simm.s32 @!p0 $0x1  }
0x68: {  	_ =	swait.ge @!p0 [sflag:s0], s1  }
0x69: {  	s1 =	ssub.s32 @!p0 $0x0, s1;
	[sflag:s0] =	ssyncset.done @!p0 $0x0  }
0x6a: {  	[sflag:s0] =	ssyncadd.s32 @!p0 s1  }
0x6b: {  	[bflag:$0x3] =	sbarrier.arrive $0xFFFF  }
0x6c: {  	_ =	shalt  }

</sc_bundles>
